<compile_context>
chip_gen: v7x
topology: tpu7x:2x2x1
jax: 0.10.2.dev20260603
libtpu: 0.0.44.dev20260713+nightly
codegen_flags: <defaults>
</compile_context>

<pallas_src>
import functools

import jax
import jax.numpy as jnp
from jax import lax
from jax.experimental import pallas as pl
from jax.experimental.pallas import tpu as pltpu, tpu_sc as plsc

N_USERS = 10000
N_ITEMS = 40000
N = N_USERS + N_ITEMS
N_PAD = 51200
RPT = N_PAD // 16
CPY = 25
HALF = 32
E = 800000
K = 128
E_PAD = 802816
NROW2D = E_PAD // K
C32 = NROW2D // 32
C16 = NROW2D // 16
TRASH = N_PAD - 1
BLK = RPT

_mesh = plsc.VectorSubcoreMesh(core_axis_name="c", subcore_axis_name="s")

_f32 = jnp.float32
_i32 = jnp.int32



@functools.partial(
    pl.kernel,
    out_type=jax.ShapeDtypeStruct((2 * N_PAD,), _f32),
    mesh=_mesh,
    scratch_types=[
        pltpu.VMEM_SHARED((N_PAD,), _f32),
        pltpu.VMEM((K,), _i32),
        pltpu.VMEM((K,), _f32),
        pltpu.VMEM((RPT,), _f32),
    ],
)
def _degrees_kernel(src2d, dst2d, dd_o, deg, idx, ones, stage):
    c = lax.axis_index("c")
    s = lax.axis_index("s")

    @pl.loop(0, RPT // 16)
    def _zero(j):
        stage[pl.ds(j * 16, 16)] = jnp.zeros((16,), _f32)

    pltpu.sync_copy(stage, deg.at[pl.ds(s * RPT, RPT)])

    @pl.loop(0, K // 16)
    def _fill(j):
        ones[pl.ds(j * 16, 16)] = jnp.ones((16,), _f32)

    plsc.subcore_barrier()

    @pl.loop(0, C32)
    def _edges(i):
        row = (c * 16 + s) * C32 + i
        pltpu.sync_copy(src2d.at[row], idx)
        pltpu.sync_copy(ones, deg.at[idx], add=True)
        pltpu.sync_copy(dst2d.at[row], idx)
        pltpu.sync_copy(ones, deg.at[idx], add=True)

    plsc.subcore_barrier()

    pltpu.sync_copy(deg.at[pl.ds(s * RPT, RPT)], stage)
    pltpu.sync_copy(stage, dd_o.at[pl.ds(c * N_PAD + s * RPT, RPT)])


@functools.partial(
    pl.kernel,
    out_type=jax.ShapeDtypeStruct((2 * N_PAD, HALF), _f32),
    mesh=_mesh,
    scratch_types=[
        pltpu.VMEM_SHARED((N_PAD, HALF), _f32),
        pltpu.VMEM((K,), _i32),
        pltpu.VMEM((K,), _i32),
        pltpu.VMEM((K, HALF), _f32),
        pltpu.SemaphoreType.DMA,
    ],
    compiler_params=pltpu.CompilerParams(use_tc_tiling_on_sc=False),
)
def _propagate_kernel(zcat, src2d, dstoff2d, s_o, S, didx, sidx, rows, sem):
    c = lax.axis_index("c")
    s = lax.axis_index("s")

    @pl.loop(0, K)
    def _zrow(r):
        rows[r, pl.ds(0, 16)] = jnp.zeros((16,), _f32)
        rows[r, pl.ds(16, 16)] = jnp.zeros((16,), _f32)

    @pl.loop(0, CPY)
    def _zcopy(k):
        pltpu.sync_copy(rows, S.at[pl.ds(s * RPT + k * K, K)])

    plsc.subcore_barrier()

    @pl.loop(0, C16)
    def _edges(i):
        row = s * C16 + i
        pltpu.sync_copy(dstoff2d.at[c * NROW2D + row], didx)
        pltpu.async_copy(zcat.at[didx], rows, sem).wait()
        pltpu.sync_copy(src2d.at[row], sidx)
        pltpu.sync_copy(rows, S.at[sidx], add=True)

    plsc.subcore_barrier()

    @pl.loop(0, CPY)
    def _out(k):
        r0 = s * RPT + k * K
        pltpu.sync_copy(S.at[pl.ds(r0, K)], rows)
        pltpu.sync_copy(rows, s_o.at[pl.ds(c * N_PAD + r0, K)])



def _norm_body(d0_ref, d1_ref, e_ref, w1_ref, w2_ref, z_ref):
    d = d0_ref[...] + d1_ref[...]
    y = jnp.where(d > 0.0, lax.rsqrt(jnp.maximum(d, 1.0)), 0.0)
    w1_ref[...] = jnp.broadcast_to(y, w1_ref.shape)
    w2_ref[...] = jnp.broadcast_to(y * y, w2_ref.shape)
    z_ref[...] = e_ref[...] * y


_norm_kernel = pl.pallas_call(
    _norm_body,
    grid=(2 * N_PAD // BLK,),
    in_specs=[
        pl.BlockSpec((BLK, 1), lambda i: (i % 16, 0)),
        pl.BlockSpec((BLK, 1), lambda i: (i % 16, 0)),
        pl.BlockSpec((BLK, HALF), lambda i: (i, 0)),
    ],
    out_specs=[
        pl.BlockSpec((BLK, HALF), lambda i: (i, 0)),
        pl.BlockSpec((BLK, HALF), lambda i: (i, 0)),
        pl.BlockSpec((BLK, HALF), lambda i: (i, 0)),
    ],
    out_shape=[
        jax.ShapeDtypeStruct((2 * N_PAD, HALF), _f32),
        jax.ShapeDtypeStruct((2 * N_PAD, HALF), _f32),
        jax.ShapeDtypeStruct((2 * N_PAD, HALF), _f32),
    ],
)


def _post_mid_body(s_ref, a_ref, w1_ref, w2_ref, z_ref, ao_ref):
    sv = s_ref[...]
    z_ref[...] = sv * w2_ref[...]
    ao_ref[...] = a_ref[...] + sv * w1_ref[...]


_post_mid = pl.pallas_call(
    _post_mid_body,
    grid=(2 * N_PAD // BLK,),
    in_specs=[pl.BlockSpec((BLK, HALF), lambda i: (i, 0))] * 4,
    out_specs=[pl.BlockSpec((BLK, HALF), lambda i: (i, 0))] * 2,
    out_shape=[
        jax.ShapeDtypeStruct((2 * N_PAD, HALF), _f32),
        jax.ShapeDtypeStruct((2 * N_PAD, HALF), _f32),
    ],
)


def _post_last_body(s_ref, a_ref, w1_ref, ao_ref):
    ao_ref[...] = (a_ref[...] + s_ref[...] * w1_ref[...]) * 0.25


_post_last = pl.pallas_call(
    _post_last_body,
    grid=(2 * N_PAD // BLK,),
    in_specs=[pl.BlockSpec((BLK, HALF), lambda i: (i, 0))] * 3,
    out_specs=pl.BlockSpec((BLK, HALF), lambda i: (i, 0)),
    out_shape=jax.ShapeDtypeStruct((2 * N_PAD, HALF), _f32),
)



def kernel(user_weight, item_weight, edge_index):
    emb0 = jnp.concatenate([user_weight, item_weight], axis=0)
    emb0 = jnp.pad(emb0, ((0, N_PAD - N), (0, 0)))
    ecat = jnp.concatenate([emb0[:, :HALF], emb0[:, HALF:]], axis=0)

    ei = edge_index.astype(jnp.int32)
    src = jnp.pad(ei[0], (0, E_PAD - E), constant_values=TRASH).reshape(-1, K)
    dst = jnp.pad(ei[1], (0, E_PAD - E), constant_values=TRASH).reshape(-1, K)
    dstoff = jnp.concatenate([dst, dst + N_PAD], axis=0)

    dd = _degrees_kernel(src, dst)
    d0 = dd[:N_PAD].reshape(N_PAD, 1)
    d1 = dd[N_PAD:].reshape(N_PAD, 1)
    w1, w2, z = _norm_kernel(d0, d1, ecat)

    acc = ecat
    for _ in range(2):
        s_raw = _propagate_kernel(z, src, dstoff)
        z, acc = _post_mid(s_raw, acc, w1, w2)
    s_raw = _propagate_kernel(z, src, dstoff)
    accf = _post_last(s_raw, acc, w1)

    final = jnp.concatenate([accf[:N], accf[N_PAD:N_PAD + N]], axis=1)
    return (final[:N_USERS], final[N_USERS:], user_weight, item_weight)

# --- scband reference (transcript-rebuilt; emitter-appended) ---
"""Pipeline reference for scband-light-gcn-15290083574237 (READ-ONLY COPY).

The authoritative reference and input builder live on the scoring server;
editing this copy changes nothing except your own understanding.
"""

import jax, jax.numpy as jnp
import numpy as np

NUM_USERS = 10000
NUM_ITEMS = 40000
EMB = 64
NUM_LAYERS = 3
NUM_EDGES = 800000


def setup_inputs(seed: int = 0) -> dict:
    key = jax.random.key(seed)
    k1, k2, k3 = jax.random.split(key, 3)
    N = NUM_USERS + NUM_ITEMS
    edge_index = jax.random.randint(k1, (2, NUM_EDGES), 0, N)
    # xavier_normal-ish init for embedding tables
    std = float(np.sqrt(2.0 / (N + EMB)))
    user_weight = jax.random.normal(k2, (NUM_USERS, EMB), dtype=jnp.float32) * std
    item_weight = jax.random.normal(k3, (NUM_ITEMS, EMB), dtype=jnp.float32) * std
    return {"user_weight": user_weight, "item_weight": item_weight, "edge_index": edge_index}


def reference(user_weight, item_weight, edge_index):
    num_users = user_weight.shape[0]
    num_items = item_weight.shape[0]
    N = num_users + num_items
    all_emb_0 = jnp.concatenate([user_weight, item_weight], axis=0)

    src = edge_index[0]
    dst = edge_index[1]
    ones = jnp.ones(src.shape[0], dtype=jnp.float32)
    # degrees accumulate contributions from both endpoints (as in torch code)
    degrees = jnp.zeros(N, dtype=jnp.float32).at[src].add(ones).at[dst].add(ones)
    deg_inv_sqrt = jnp.where(degrees > 0, degrees ** -0.5, 0.0)
    edge_weight = deg_inv_sqrt[src] * deg_inv_sqrt[dst]

    all_embs = [all_emb_0]
    current_emb = all_emb_0
    for _ in range(NUM_LAYERS):
        # sparse.mm(adj, emb): out[src] += w * emb[dst]
        msgs = edge_weight[:, None] * current_emb[dst]
        current_emb = jax.ops.segment_sum(msgs, src, num_segments=N)
        all_embs.append(current_emb)

    all_emb_final = jnp.mean(jnp.stack(all_embs, axis=0), axis=0)
    user_emb_final = all_emb_final[:num_users]
    item_emb_final = all_emb_final[num_users:]
    return (user_emb_final, item_emb_final, user_weight, item_weight)

if __name__ == "__main__":
    import jax
    _d = setup_inputs()
    print(jax.jit(kernel)(*tuple(_d.values())))

</pallas_src>

<mosaic_0001>
#map = affine_map<(d0, d1) -> (0, 0)>
#map1 = affine_map<(d0, d1) -> (0)>
module attributes {stable_mosaic.version = 14 : i64} {
  func.func @_degrees_kernel(%arg0: i32, %arg1: i32, %arg2: memref<6272x128xi32, #tpu.memory_space<hbm>>, %arg3: memref<6272x128xi32, #tpu.memory_space<hbm>>, %arg4: memref<102400xf32, #tpu.memory_space<hbm>>, %arg5: memref<51200xf32, #tpu.memory_space<vmem_shared>>, %arg6: memref<128xi32, #tpu.memory_space<vmem>>, %arg7: memref<128xf32, #tpu.memory_space<vmem>>, %arg8: memref<3200xf32, #tpu.memory_space<vmem>>) attributes {dimension_semantics = [#tpu.dimension_semantics<core_parallel>, #tpu.dimension_semantics<subcore_parallel>], iteration_bounds = array<i64: 2, 16>, scalar_prefetch = 0 : i64, scratch_operands = 4 : i64, tpu.core_type = #tpu.core_type<sc_vector_subcore>, window_params = [{transform_indices = #map}, {transform_indices = #map}, {transform_indices = #map1}]} {
    %scan3A = arith.constant 0 : i32
    %scan3A_0 = arith.constant 200 : i32
    %scan3A_1 = arith.addi %scan3A, %scan3A_0 : i32
    %scan3A_2 = arith.constant 1 : i32
    scf.for %scan3A_22 = %scan3A to %scan3A_1 step %scan3A_2  : i32 {
      %mul3A_23 = arith.constant 1 : i32
      %mul3A_24 = arith.muli %scan3A_22, %mul3A_23 : i32
      %add3A_25 = arith.constant 0 : i32
      %add3A_26 = arith.addi %add3A_25, %mul3A_24 : i32
      %broadcast_in_dim3A = arith.constant 0.000000e+00 : f32
      %broadcast_in_dim3A_27 = vector.broadcast %broadcast_in_dim3A : f32 to vector<16xf32>
      %mul3A_28 = arith.constant 16 : i32
      %mul3A_29 = arith.muli %add3A_26, %mul3A_28 : i32
      %swap3A = arith.index_cast %mul3A_29 : i32 to index
      %swap3A_30 = tpu.vector_load %arg8[%swap3A] {strides = array<i32>} : memref<3200xf32, #tpu.memory_space<vmem>>, vector<16xf32>,
      %swap3A_31 = vector.shape_cast %swap3A_30 : vector<16xf32> to vector<16xf32>
      %swap3A_32 = vector.shape_cast %broadcast_in_dim3A_27 : vector<16xf32> to vector<16xf32>
      tpu.vector_store %arg8[%swap3A], %swap3A_32 {strides = array<i32>} : memref<3200xf32, #tpu.memory_space<vmem>>, vector<16xf32>,
    }
    %scan3A_3 = arith.constant 200 : i32
    %mul3A = arith.constant 3200 : i32
    %mul3A_4 = arith.muli %arg1, %mul3A : i32
    "tpu.region"() ({
      %run_scoped3A = tpu.sem_alloc : memref<!tpu.dma_semaphore, #tpu.memory_space<semaphore_mem>>
      %dma_start3A = tpu.memref_slice %arg5[%mul3A_4] : memref<51200xf32, #tpu.memory_space<vmem_shared>> -> memref<3200xf32, #tpu.memory_space<vmem_shared>>
      %dma_start3A_22 = tpu.memref_slice %arg5[%mul3A_4] : memref<51200xf32, #tpu.memory_space<vmem_shared>> -> memref<3200xf32, #tpu.memory_space<vmem_shared>>
      tpu.enqueue_dma source(%arg8 : memref<3200xf32, #tpu.memory_space<vmem>>) target(%dma_start3A_22 : memref<3200xf32, #tpu.memory_space<vmem_shared>>) target_semaphore(%run_scoped3A : memref<!tpu.dma_semaphore, #tpu.memory_space<semaphore_mem>>)
      %dma_wait3A = tpu.memref_slice %arg5[%mul3A_4] : memref<51200xf32, #tpu.memory_space<vmem_shared>> -> memref<3200xf32, #tpu.memory_space<vmem_shared>>
      %dma_wait3A_23 = tpu.memref_slice %arg5[%mul3A_4] : memref<51200xf32, #tpu.memory_space<vmem_shared>> -> memref<3200xf32, #tpu.memory_space<vmem_shared>>
      tpu.wait_dma2 semaphore(%run_scoped3A : memref<!tpu.dma_semaphore, #tpu.memory_space<semaphore_mem>>) src(%arg8 : memref<3200xf32, #tpu.memory_space<vmem>>) dst(%dma_wait3A_23 : memref<3200xf32, #tpu.memory_space<vmem_shared>>)
      tpu.yield
    }) : () -> ()
    %scan3A_5 = arith.constant 0 : i32
    %scan3A_6 = arith.constant 8 : i32
    %scan3A_7 = arith.addi %scan3A_5, %scan3A_6 : i32
    %scan3A_8 = arith.constant 1 : i32
    scf.for %scan3A_22 = %scan3A_5 to %scan3A_7 step %scan3A_8  : i32 {
      %mul3A_23 = arith.constant 1 : i32
      %mul3A_24 = arith.muli %scan3A_22, %mul3A_23 : i32
      %add3A_25 = arith.constant 0 : i32
      %add3A_26 = arith.addi %add3A_25, %mul3A_24 : i32
      %broadcast_in_dim3A = arith.constant 1.000000e+00 : f32
      %broadcast_in_dim3A_27 = vector.broadcast %broadcast_in_dim3A : f32 to vector<16xf32>
      %mul3A_28 = arith.constant 16 : i32
      %mul3A_29 = arith.muli %add3A_26, %mul3A_28 : i32
      %swap3A = arith.index_cast %mul3A_29 : i32 to index
      %swap3A_30 = tpu.vector_load %arg7[%swap3A] {strides = array<i32>} : memref<128xf32, #tpu.memory_space<vmem>>, vector<16xf32>,
      %swap3A_31 = vector.shape_cast %swap3A_30 : vector<16xf32> to vector<16xf32>
      %swap3A_32 = vector.shape_cast %broadcast_in_dim3A_27 : vector<16xf32> to vector<16xf32>
      tpu.vector_store %arg7[%swap3A], %swap3A_32 {strides = array<i32>} : memref<128xf32, #tpu.memory_space<vmem>>, vector<16xf32>,
    }
    %scan3A_9 = arith.constant 8 : i32
    %barrier3A = arith.constant 0 : index
    tpu.barrier barrier_id(%barrier3A)
    %scan3A_10 = arith.constant 0 : i32
    %scan3A_11 = arith.constant 196 : i32
    %scan3A_12 = arith.addi %scan3A_10, %scan3A_11 : i32
    %scan3A_13 = arith.constant 1 : i32
    scf.for %scan3A_22 = %scan3A_10 to %scan3A_12 step %scan3A_13  : i32 {
      %mul3A_23 = arith.constant 1 : i32
      %mul3A_24 = arith.muli %scan3A_22, %mul3A_23 : i32
      %add3A_25 = arith.constant 0 : i32
      %add3A_26 = arith.addi %add3A_25, %mul3A_24 : i32
      %mul3A_27 = arith.constant 16 : i32
      %mul3A_28 = arith.muli %arg0, %mul3A_27 : i32
      %add3A_29 = arith.addi %mul3A_28, %arg1 : i32
      %mul3A_30 = arith.constant 196 : i32
      %mul3A_31 = arith.muli %add3A_29, %mul3A_30 : i32
      %add3A_32 = arith.addi %mul3A_31, %add3A_26 : i32
      "tpu.region"() ({
        %run_scoped3A = tpu.sem_alloc : memref<!tpu.dma_semaphore, #tpu.memory_space<semaphore_mem>>
        %dma_start3A = arith.constant 0 : i32
        %dma_start3A_33 = tpu.memref_slice %arg2[%add3A_32, %dma_start3A] : memref<6272x128xi32, #tpu.memory_space<hbm>> -> memref<1x128xi32, #tpu.memory_space<hbm>>
        %dma_start3A_34 = tpu.memref_squeeze %dma_start3A_33 : memref<1x128xi32, #tpu.memory_space<hbm>> -> memref<128xi32, #tpu.memory_space<hbm>>
        %dma_start3A_35 = arith.constant 0 : i32
        %dma_start3A_36 = tpu.memref_slice %arg2[%add3A_32, %dma_start3A_35] : memref<6272x128xi32, #tpu.memory_space<hbm>> -> memref<1x128xi32, #tpu.memory_space<hbm>>
        %dma_start3A_37 = tpu.memref_squeeze %dma_start3A_36 : memref<1x128xi32, #tpu.memory_space<hbm>> -> memref<128xi32, #tpu.memory_space<hbm>>
        tpu.enqueue_dma source(%dma_start3A_37 : memref<128xi32, #tpu.memory_space<hbm>>) target(%arg6 : memref<128xi32, #tpu.memory_space<vmem>>) target_semaphore(%run_scoped3A : memref<!tpu.dma_semaphore, #tpu.memory_space<semaphore_mem>>)
        %dma_wait3A = arith.constant 0 : i32
        %dma_wait3A_38 = tpu.memref_slice %arg2[%add3A_32, %dma_wait3A] : memref<6272x128xi32, #tpu.memory_space<hbm>> -> memref<1x128xi32, #tpu.memory_space<hbm>>
        %dma_wait3A_39 = tpu.memref_squeeze %dma_wait3A_38 : memref<1x128xi32, #tpu.memory_space<hbm>> -> memref<128xi32, #tpu.memory_space<hbm>>
        %dma_wait3A_40 = arith.constant 0 : i32
        %dma_wait3A_41 = tpu.memref_slice %arg2[%add3A_32, %dma_wait3A_40] : memref<6272x128xi32, #tpu.memory_space<hbm>> -> memref<1x128xi32, #tpu.memory_space<hbm>>
        %dma_wait3A_42 = tpu.memref_squeeze %dma_wait3A_41 : memref<1x128xi32, #tpu.memory_space<hbm>> -> memref<128xi32, #tpu.memory_space<hbm>>
        tpu.wait_dma2 semaphore(%run_scoped3A : memref<!tpu.dma_semaphore, #tpu.memory_space<semaphore_mem>>) src(%dma_wait3A_42 : memref<128xi32, #tpu.memory_space<hbm>>) dst(%arg6 : memref<128xi32, #tpu.memory_space<vmem>>)
        tpu.yield
      }) : () -> ()
      "tpu.region"() ({
        %run_scoped3A = tpu.sem_alloc : memref<!tpu.dma_semaphore, #tpu.memory_space<semaphore_mem>>
        %dma_start3A = arith.constant 0 : i32
        %dma_start3A_33 = tpu.memref_slice %arg5[%dma_start3A] : memref<51200xf32, #tpu.memory_space<vmem_shared>> -> memref<51200xf32, #tpu.memory_space<vmem_shared>>
        tpu.enqueue_indirect_dma source(%arg7 : memref<128xf32, #tpu.memory_space<vmem>>) target(%dma_start3A_33 : memref<51200xf32, #tpu.memory_space<vmem_shared>>) offsets(%arg6 : memref<128xi32, #tpu.memory_space<vmem>>) semaphore(%run_scoped3A : memref<!tpu.dma_semaphore, #tpu.memory_space<semaphore_mem>>) {add = true}
        %dma_wait3A = arith.constant 0 : i32
        %dma_wait3A_34 = tpu.memref_slice %arg5[%dma_wait3A] : memref<51200xf32, #tpu.memory_space<vmem_shared>> -> memref<51200xf32, #tpu.memory_space<vmem_shared>>
        tpu.wait_indirect_dma semaphore(%run_scoped3A : memref<!tpu.dma_semaphore, #tpu.memory_space<semaphore_mem>>) src(%arg7 : memref<128xf32, #tpu.memory_space<vmem>>) dst(%dma_wait3A_34 : memref<51200xf32, #tpu.memory_space<vmem_shared>>)
        tpu.yield
      }) : () -> ()
      "tpu.region"() ({
        %run_scoped3A = tpu.sem_alloc : memref<!tpu.dma_semaphore, #tpu.memory_space<semaphore_mem>>
        %dma_start3A = arith.constant 0 : i32
        %dma_start3A_33 = tpu.memref_slice %arg3[%add3A_32, %dma_start3A] : memref<6272x128xi32, #tpu.memory_space<hbm>> -> memref<1x128xi32, #tpu.memory_space<hbm>>
        %dma_start3A_34 = tpu.memref_squeeze %dma_start3A_33 : memref<1x128xi32, #tpu.memory_space<hbm>> -> memref<128xi32, #tpu.memory_space<hbm>>
        %dma_start3A_35 = arith.constant 0 : i32
        %dma_start3A_36 = tpu.memref_slice %arg3[%add3A_32, %dma_start3A_35] : memref<6272x128xi32, #tpu.memory_space<hbm>> -> memref<1x128xi32, #tpu.memory_space<hbm>>
        %dma_start3A_37 = tpu.memref_squeeze %dma_start3A_36 : memref<1x128xi32, #tpu.memory_space<hbm>> -> memref<128xi32, #tpu.memory_space<hbm>>
        tpu.enqueue_dma source(%dma_start3A_37 : memref<128xi32, #tpu.memory_space<hbm>>) target(%arg6 : memref<128xi32, #tpu.memory_space<vmem>>) target_semaphore(%run_scoped3A : memref<!tpu.dma_semaphore, #tpu.memory_space<semaphore_mem>>)
        %dma_wait3A = arith.constant 0 : i32
        %dma_wait3A_38 = tpu.memref_slice %arg3[%add3A_32, %dma_wait3A] : memref<6272x128xi32, #tpu.memory_space<hbm>> -> memref<1x128xi32, #tpu.memory_space<hbm>>
        %dma_wait3A_39 = tpu.memref_squeeze %dma_wait3A_38 : memref<1x128xi32, #tpu.memory_space<hbm>> -> memref<128xi32, #tpu.memory_space<hbm>>
        %dma_wait3A_40 = arith.constant 0 : i32
        %dma_wait3A_41 = tpu.memref_slice %arg3[%add3A_32, %dma_wait3A_40] : memref<6272x128xi32, #tpu.memory_space<hbm>> -> memref<1x128xi32, #tpu.memory_space<hbm>>
        %dma_wait3A_42 = tpu.memref_squeeze %dma_wait3A_41 : memref<1x128xi32, #tpu.memory_space<hbm>> -> memref<128xi32, #tpu.memory_space<hbm>>
        tpu.wait_dma2 semaphore(%run_scoped3A : memref<!tpu.dma_semaphore, #tpu.memory_space<semaphore_mem>>) src(%dma_wait3A_42 : memref<128xi32, #tpu.memory_space<hbm>>) dst(%arg6 : memref<128xi32, #tpu.memory_space<vmem>>)
        tpu.yield
      }) : () -> ()
      "tpu.region"() ({
        %run_scoped3A = tpu.sem_alloc : memref<!tpu.dma_semaphore, #tpu.memory_space<semaphore_mem>>
        %dma_start3A = arith.constant 0 : i32
        %dma_start3A_33 = tpu.memref_slice %arg5[%dma_start3A] : memref<51200xf32, #tpu.memory_space<vmem_shared>> -> memref<51200xf32, #tpu.memory_space<vmem_shared>>
        tpu.enqueue_indirect_dma source(%arg7 : memref<128xf32, #tpu.memory_space<vmem>>) target(%dma_start3A_33 : memref<51200xf32, #tpu.memory_space<vmem_shared>>) offsets(%arg6 : memref<128xi32, #tpu.memory_space<vmem>>) semaphore(%run_scoped3A : memref<!tpu.dma_semaphore, #tpu.memory_space<semaphore_mem>>) {add = true}
        %dma_wait3A = arith.constant 0 : i32
        %dma_wait3A_34 = tpu.memref_slice %arg5[%dma_wait3A] : memref<51200xf32, #tpu.memory_space<vmem_shared>> -> memref<51200xf32, #tpu.memory_space<vmem_shared>>
        tpu.wait_indirect_dma semaphore(%run_scoped3A : memref<!tpu.dma_semaphore, #tpu.memory_space<semaphore_mem>>) src(%arg7 : memref<128xf32, #tpu.memory_space<vmem>>) dst(%dma_wait3A_34 : memref<51200xf32, #tpu.memory_space<vmem_shared>>)
        tpu.yield
      }) : () -> ()
    }
    %scan3A_14 = arith.constant 196 : i32
    %barrier3A_15 = arith.constant 0 : index
    tpu.barrier barrier_id(%barrier3A_15)
    %mul3A_16 = arith.constant 3200 : i32
    %mul3A_17 = arith.muli %arg1, %mul3A_16 : i32
    "tpu.region"() ({
      %run_scoped3A = tpu.sem_alloc : memref<!tpu.dma_semaphore, #tpu.memory_space<semaphore_mem>>
      %dma_start3A = tpu.memref_slice %arg5[%mul3A_17] : memref<51200xf32, #tpu.memory_space<vmem_shared>> -> memref<3200xf32, #tpu.memory_space<vmem_shared>>
      %dma_start3A_22 = tpu.memref_slice %arg5[%mul3A_17] : memref<51200xf32, #tpu.memory_space<vmem_shared>> -> memref<3200xf32, #tpu.memory_space<vmem_shared>>
      tpu.enqueue_dma source(%dma_start3A_22 : memref<3200xf32, #tpu.memory_space<vmem_shared>>) target(%arg8 : memref<3200xf32, #tpu.memory_space<vmem>>) target_semaphore(%run_scoped3A : memref<!tpu.dma_semaphore, #tpu.memory_space<semaphore_mem>>)
      %dma_wait3A = tpu.memref_slice %arg5[%mul3A_17] : memref<51200xf32, #tpu.memory_space<vmem_shared>> -> memref<3200xf32, #tpu.memory_space<vmem_shared>>
      %dma_wait3A_23 = tpu.memref_slice %arg5[%mul3A_17] : memref<51200xf32, #tpu.memory_space<vmem_shared>> -> memref<3200xf32, #tpu.memory_space<vmem_shared>>
      tpu.wait_dma2 semaphore(%run_scoped3A : memref<!tpu.dma_semaphore, #tpu.memory_space<semaphore_mem>>) src(%dma_wait3A_23 : memref<3200xf32, #tpu.memory_space<vmem_shared>>) dst(%arg8 : memref<3200xf32, #tpu.memory_space<vmem>>)
      tpu.yield
    }) : () -> ()
    %mul3A_18 = arith.constant 51200 : i32
    %mul3A_19 = arith.muli %arg0, %mul3A_18 : i32
    %mul3A_20 = arith.constant 3200 : i32
    %mul3A_21 = arith.muli %arg1, %mul3A_20 : i32
    %add3A = arith.addi %mul3A_19, %mul3A_21 : i32
    "tpu.region"() ({
      %run_scoped3A = tpu.sem_alloc : memref<!tpu.dma_semaphore, #tpu.memory_space<semaphore_mem>>
      %dma_start3A = tpu.memref_slice %arg4[%add3A] : memref<102400xf32, #tpu.memory_space<hbm>> -> memref<3200xf32, #tpu.memory_space<hbm>>
      %dma_start3A_22 = tpu.memref_slice %arg4[%add3A] : memref<102400xf32, #tpu.memory_space<hbm>> -> memref<3200xf32, #tpu.memory_space<hbm>>
      tpu.enqueue_dma source(%arg8 : memref<3200xf32, #tpu.memory_space<vmem>>) target(%dma_start3A_22 : memref<3200xf32, #tpu.memory_space<hbm>>) target_semaphore(%run_scoped3A : memref<!tpu.dma_semaphore, #tpu.memory_space<semaphore_mem>>)
      %dma_wait3A = tpu.memref_slice %arg4[%add3A] : memref<102400xf32, #tpu.memory_space<hbm>> -> memref<3200xf32, #tpu.memory_space<hbm>>
      %dma_wait3A_23 = tpu.memref_slice %arg4[%add3A] : memref<102400xf32, #tpu.memory_space<hbm>> -> memref<3200xf32, #tpu.memory_space<hbm>>
      tpu.wait_dma2 semaphore(%run_scoped3A : memref<!tpu.dma_semaphore, #tpu.memory_space<semaphore_mem>>) src(%arg8 : memref<3200xf32, #tpu.memory_space<vmem>>) dst(%dma_wait3A_23 : memref<3200xf32, #tpu.memory_space<hbm>>)
      tpu.yield
    }) : () -> ()
    return
  }
}

#map = affine_map<(d0, d1) -> (0, 0)>
module attributes {stable_mosaic.version = 14 : i64} {
  func.func @_propagate_kernel(%arg0: i32, %arg1: i32, %arg2: memref<102400x32xf32, #tpu.memory_space<hbm>>, %arg3: memref<6272x128xi32, #tpu.memory_space<hbm>>, %arg4: memref<12544x128xi32, #tpu.memory_space<hbm>>, %arg5: memref<102400x32xf32, #tpu.memory_space<hbm>>, %arg6: memref<51200x32xf32, #tpu.memory_space<vmem_shared>>, %arg7: memref<128xi32, #tpu.memory_space<vmem>>, %arg8: memref<128xi32, #tpu.memory_space<vmem>>, %arg9: memref<128x32xf32, #tpu.memory_space<vmem>>, %arg10: memref<!tpu.dma_semaphore, #tpu.memory_space<semaphore_mem>>) attributes {dimension_semantics = [#tpu.dimension_semantics<core_parallel>, #tpu.dimension_semantics<subcore_parallel>], iteration_bounds = array<i64: 2, 16>, scalar_prefetch = 0 : i64, scratch_operands = 5 : i64, tpu.core_type = #tpu.core_type<sc_vector_subcore>, window_params = [{transform_indices = #map}, {transform_indices = #map}, {transform_indices = #map}, {transform_indices = #map}]} {
    %scan3A = arith.constant 0 : i32
    %scan3A_0 = arith.constant 128 : i32
    %scan3A_1 = arith.addi %scan3A, %scan3A_0 : i32
    %scan3A_2 = arith.constant 1 : i32
    scf.for %scan3A_20 = %scan3A to %scan3A_1 step %scan3A_2  : i32 {
      %mul3A = arith.constant 1 : i32
      %mul3A_21 = arith.muli %scan3A_20, %mul3A : i32
      %add3A = arith.constant 0 : i32
      %add3A_22 = arith.addi %add3A, %mul3A_21 : i32
      %broadcast_in_dim3A = arith.constant 0.000000e+00 : f32
      %broadcast_in_dim3A_23 = vector.broadcast %broadcast_in_dim3A : f32 to vector<16xf32>
      %swap3A = arith.index_cast %add3A_22 : i32 to index
      %swap3A_24 = arith.constant 0 : index
      %swap3A_25 = tpu.vector_load %arg9[%swap3A, %swap3A_24] {strides = array<i32>} : memref<128x32xf32, #tpu.memory_space<vmem>>, vector<1x16xf32>,
      %swap3A_26 = vector.shape_cast %swap3A_25 : vector<1x16xf32> to vector<16xf32>
      %swap3A_27 = vector.shape_cast %broadcast_in_dim3A_23 : vector<16xf32> to vector<1x16xf32>
      tpu.vector_store %arg9[%swap3A, %swap3A_24], %swap3A_27 {strides = array<i32>} : memref<128x32xf32, #tpu.memory_space<vmem>>, vector<1x16xf32>,
      %broadcast_in_dim3A_28 = arith.constant 0.000000e+00 : f32
      %broadcast_in_dim3A_29 = vector.broadcast %broadcast_in_dim3A_28 : f32 to vector<16xf32>
      %swap3A_30 = arith.index_cast %add3A_22 : i32 to index
      %swap3A_31 = arith.constant 16 : index
      %swap3A_32 = tpu.vector_load %arg9[%swap3A_30, %swap3A_31] {strides = array<i32>} : memref<128x32xf32, #tpu.memory_space<vmem>>, vector<1x16xf32>,
      %swap3A_33 = vector.shape_cast %swap3A_32 : vector<1x16xf32> to vector<16xf32>
      %swap3A_34 = vector.shape_cast %broadcast_in_dim3A_29 : vector<16xf32> to vector<1x16xf32>
      tpu.vector_store %arg9[%swap3A_30, %swap3A_31], %swap3A_34 {strides = array<i32>} : memref<128x32xf32, #tpu.memory_space<vmem>>, vector<1x16xf32>,
    }
    %scan3A_3 = arith.constant 128 : i32
    %scan3A_4 = arith.constant 0 : i32
    %scan3A_5 = arith.constant 25 : i32
    %scan3A_6 = arith.addi %scan3A_4, %scan3A_5 : i32
    %scan3A_7 = arith.constant 1 : i32
    scf.for %scan3A_20 = %scan3A_4 to %scan3A_6 step %scan3A_7  : i32 {
      %mul3A = arith.constant 1 : i32
      %mul3A_21 = arith.muli %scan3A_20, %mul3A : i32
      %add3A = arith.constant 0 : i32
      %add3A_22 = arith.addi %add3A, %mul3A_21 : i32
      %mul3A_23 = arith.constant 3200 : i32
      %mul3A_24 = arith.muli %arg1, %mul3A_23 : i32
      %mul3A_25 = arith.constant 128 : i32
      %mul3A_26 = arith.muli %add3A_22, %mul3A_25 : i32
      %add3A_27 = arith.addi %mul3A_24, %mul3A_26 : i32
      "tpu.region"() ({
        %run_scoped3A = tpu.sem_alloc : memref<!tpu.dma_semaphore, #tpu.memory_space<semaphore_mem>>
        %dma_start3A = arith.constant 0 : i32
        %dma_start3A_28 = tpu.memref_slice %arg6[%add3A_27, %dma_start3A] : memref<51200x32xf32, #tpu.memory_space<vmem_shared>> -> memref<128x32xf32, #tpu.memory_space<vmem_shared>>
        %dma_start3A_29 = arith.constant 0 : i32
        %dma_start3A_30 = tpu.memref_slice %arg6[%add3A_27, %dma_start3A_29] : memref<51200x32xf32, #tpu.memory_space<vmem_shared>> -> memref<128x32xf32, #tpu.memory_space<vmem_shared>>
        tpu.enqueue_dma source(%arg9 : memref<128x32xf32, #tpu.memory_space<vmem>>) target(%dma_start3A_30 : memref<128x32xf32, #tpu.memory_space<vmem_shared>>) target_semaphore(%run_scoped3A : memref<!tpu.dma_semaphore, #tpu.memory_space<semaphore_mem>>)
        %dma_wait3A = arith.constant 0 : i32
        %dma_wait3A_31 = tpu.memref_slice %arg6[%add3A_27, %dma_wait3A] : memref<51200x32xf32, #tpu.memory_space<vmem_shared>> -> memref<128x32xf32, #tpu.memory_space<vmem_shared>>
        %dma_wait3A_32 = arith.constant 0 : i32
        %dma_wait3A_33 = tpu.memref_slice %arg6[%add3A_27, %dma_wait3A_32] : memref<51200x32xf32, #tpu.memory_space<vmem_shared>> -> memref<128x32xf32, #tpu.memory_space<vmem_shared>>
        tpu.wait_dma2 semaphore(%run_scoped3A : memref<!tpu.dma_semaphore, #tpu.memory_space<semaphore_mem>>) src(%arg9 : memref<128x32xf32, #tpu.memory_space<vmem>>) dst(%dma_wait3A_33 : memref<128x32xf32, #tpu.memory_space<vmem_shared>>)
        tpu.yield
      }) : () -> ()
    }
    %scan3A_8 = arith.constant 25 : i32
    %barrier3A = arith.constant 0 : index
    tpu.barrier barrier_id(%barrier3A)
    %scan3A_9 = arith.constant 0 : i32
    %scan3A_10 = arith.constant 392 : i32
    %scan3A_11 = arith.addi %scan3A_9, %scan3A_10 : i32
    %scan3A_12 = arith.constant 1 : i32
    scf.for %scan3A_20 = %scan3A_9 to %scan3A_11 step %scan3A_12  : i32 {
      %mul3A = arith.constant 1 : i32
      %mul3A_21 = arith.muli %scan3A_20, %mul3A : i32
      %add3A = arith.constant 0 : i32
      %add3A_22 = arith.addi %add3A, %mul3A_21 : i32
      %mul3A_23 = arith.constant 392 : i32
      %mul3A_24 = arith.muli %arg1, %mul3A_23 : i32
      %add3A_25 = arith.addi %mul3A_24, %add3A_22 : i32
      %mul3A_26 = arith.constant 6272 : i32
      %mul3A_27 = arith.muli %arg0, %mul3A_26 : i32
      %add3A_28 = arith.addi %mul3A_27, %add3A_25 : i32
      "tpu.region"() ({
        %run_scoped3A = tpu.sem_alloc : memref<!tpu.dma_semaphore, #tpu.memory_space<semaphore_mem>>
        %dma_start3A_33 = arith.constant 0 : i32
        %dma_start3A_34 = tpu.memref_slice %arg4[%add3A_28, %dma_start3A_33] : memref<12544x128xi32, #tpu.memory_space<hbm>> -> memref<1x128xi32, #tpu.memory_space<hbm>>
        %dma_start3A_35 = tpu.memref_squeeze %dma_start3A_34 : memref<1x128xi32, #tpu.memory_space<hbm>> -> memref<128xi32, #tpu.memory_space<hbm>>
        %dma_start3A_36 = arith.constant 0 : i32
        %dma_start3A_37 = tpu.memref_slice %arg4[%add3A_28, %dma_start3A_36] : memref<12544x128xi32, #tpu.memory_space<hbm>> -> memref<1x128xi32, #tpu.memory_space<hbm>>
        %dma_start3A_38 = tpu.memref_squeeze %dma_start3A_37 : memref<1x128xi32, #tpu.memory_space<hbm>> -> memref<128xi32, #tpu.memory_space<hbm>>
        tpu.enqueue_dma source(%dma_start3A_38 : memref<128xi32, #tpu.memory_space<hbm>>) target(%arg7 : memref<128xi32, #tpu.memory_space<vmem>>) target_semaphore(%run_scoped3A : memref<!tpu.dma_semaphore, #tpu.memory_space<semaphore_mem>>)
        %dma_wait3A_39 = arith.constant 0 : i32
        %dma_wait3A_40 = tpu.memref_slice %arg4[%add3A_28, %dma_wait3A_39] : memref<12544x128xi32, #tpu.memory_space<hbm>> -> memref<1x128xi32, #tpu.memory_space<hbm>>
        %dma_wait3A_41 = tpu.memref_squeeze %dma_wait3A_40 : memref<1x128xi32, #tpu.memory_space<hbm>> -> memref<128xi32, #tpu.memory_space<hbm>>
        %dma_wait3A_42 = arith.constant 0 : i32
        %dma_wait3A_43 = tpu.memref_slice %arg4[%add3A_28, %dma_wait3A_42] : memref<12544x128xi32, #tpu.memory_space<hbm>> -> memref<1x128xi32, #tpu.memory_space<hbm>>
        %dma_wait3A_44 = tpu.memref_squeeze %dma_wait3A_43 : memref<1x128xi32, #tpu.memory_space<hbm>> -> memref<128xi32, #tpu.memory_space<hbm>>
        tpu.wait_dma2 semaphore(%run_scoped3A : memref<!tpu.dma_semaphore, #tpu.memory_space<semaphore_mem>>) src(%dma_wait3A_44 : memref<128xi32, #tpu.memory_space<hbm>>) dst(%arg7 : memref<128xi32, #tpu.memory_space<vmem>>)
        tpu.yield
      }) : () -> ()
      %dma_start3A = arith.constant 0 : i32
      %dma_start3A_29 = arith.constant 0 : i32
      %dma_start3A_30 = tpu.memref_slice %arg2[%dma_start3A, %dma_start3A_29] : memref<102400x32xf32, #tpu.memory_space<hbm>> -> memref<102400x32xf32, #tpu.memory_space<hbm>>
      tpu.enqueue_indirect_dma source(%dma_start3A_30 : memref<102400x32xf32, #tpu.memory_space<hbm>>) target(%arg9 : memref<128x32xf32, #tpu.memory_space<vmem>>) offsets(%arg7 : memref<128xi32, #tpu.memory_space<vmem>>) semaphore(%arg10 : memref<!tpu.dma_semaphore, #tpu.memory_space<semaphore_mem>>)
      %dma_wait3A = arith.constant 0 : i32
      %dma_wait3A_31 = arith.constant 0 : i32
      %dma_wait3A_32 = tpu.memref_slice %arg2[%dma_wait3A, %dma_wait3A_31] : memref<102400x32xf32, #tpu.memory_space<hbm>> -> memref<102400x32xf32, #tpu.memory_space<hbm>>
      tpu.wait_indirect_dma semaphore(%arg10 : memref<!tpu.dma_semaphore, #tpu.memory_space<semaphore_mem>>) src(%dma_wait3A_32 : memref<102400x32xf32, #tpu.memory_space<hbm>>) dst(%arg9 : memref<128x32xf32, #tpu.memory_space<vmem>>)
      "tpu.region"() ({
        %run_scoped3A = tpu.sem_alloc : memref<!tpu.dma_semaphore, #tpu.memory_space<semaphore_mem>>
        %dma_start3A_33 = arith.constant 0 : i32
        %dma_start3A_34 = tpu.memref_slice %arg3[%add3A_25, %dma_start3A_33] : memref<6272x128xi32, #tpu.memory_space<hbm>> -> memref<1x128xi32, #tpu.memory_space<hbm>>
        %dma_start3A_35 = tpu.memref_squeeze %dma_start3A_34 : memref<1x128xi32, #tpu.memory_space<hbm>> -> memref<128xi32, #tpu.memory_space<hbm>>
        %dma_start3A_36 = arith.constant 0 : i32
        %dma_start3A_37 = tpu.memref_slice %arg3[%add3A_25, %dma_start3A_36] : memref<6272x128xi32, #tpu.memory_space<hbm>> -> memref<1x128xi32, #tpu.memory_space<hbm>>
        %dma_start3A_38 = tpu.memref_squeeze %dma_start3A_37 : memref<1x128xi32, #tpu.memory_space<hbm>> -> memref<128xi32, #tpu.memory_space<hbm>>
        tpu.enqueue_dma source(%dma_start3A_38 : memref<128xi32, #tpu.memory_space<hbm>>) target(%arg8 : memref<128xi32, #tpu.memory_space<vmem>>) target_semaphore(%run_scoped3A : memref<!tpu.dma_semaphore, #tpu.memory_space<semaphore_mem>>)
        %dma_wait3A_39 = arith.constant 0 : i32
        %dma_wait3A_40 = tpu.memref_slice %arg3[%add3A_25, %dma_wait3A_39] : memref<6272x128xi32, #tpu.memory_space<hbm>> -> memref<1x128xi32, #tpu.memory_space<hbm>>
        %dma_wait3A_41 = tpu.memref_squeeze %dma_wait3A_40 : memref<1x128xi32, #tpu.memory_space<hbm>> -> memref<128xi32, #tpu.memory_space<hbm>>
        %dma_wait3A_42 = arith.constant 0 : i32
        %dma_wait3A_43 = tpu.memref_slice %arg3[%add3A_25, %dma_wait3A_42] : memref<6272x128xi32, #tpu.memory_space<hbm>> -> memref<1x128xi32, #tpu.memory_space<hbm>>
        %dma_wait3A_44 = tpu.memref_squeeze %dma_wait3A_43 : memref<1x128xi32, #tpu.memory_space<hbm>> -> memref<128xi32, #tpu.memory_space<hbm>>
        tpu.wait_dma2 semaphore(%run_scoped3A : memref<!tpu.dma_semaphore, #tpu.memory_space<semaphore_mem>>) src(%dma_wait3A_44 : memref<128xi32, #tpu.memory_space<hbm>>) dst(%arg8 : memref<128xi32, #tpu.memory_space<vmem>>)
        tpu.yield
      }) : () -> ()
      "tpu.region"() ({
        %run_scoped3A = tpu.sem_alloc : memref<!tpu.dma_semaphore, #tpu.memory_space<semaphore_mem>>
        %dma_start3A_33 = arith.constant 0 : i32
        %dma_start3A_34 = arith.constant 0 : i32
        %dma_start3A_35 = tpu.memref_slice %arg6[%dma_start3A_33, %dma_start3A_34] : memref<51200x32xf32, #tpu.memory_space<vmem_shared>> -> memref<51200x32xf32, #tpu.memory_space<vmem_shared>>
        tpu.enqueue_indirect_dma source(%arg9 : memref<128x32xf32, #tpu.memory_space<vmem>>) target(%dma_start3A_35 : memref<51200x32xf32, #tpu.memory_space<vmem_shared>>) offsets(%arg8 : memref<128xi32, #tpu.memory_space<vmem>>) semaphore(%run_scoped3A : memref<!tpu.dma_semaphore, #tpu.memory_space<semaphore_mem>>) {add = true}
        %dma_wait3A_36 = arith.constant 0 : i32
        %dma_wait3A_37 = arith.constant 0 : i32
        %dma_wait3A_38 = tpu.memref_slice %arg6[%dma_wait3A_36, %dma_wait3A_37] : memref<51200x32xf32, #tpu.memory_space<vmem_shared>> -> memref<51200x32xf32, #tpu.memory_space<vmem_shared>>
        tpu.wait_indirect_dma semaphore(%run_scoped3A : memref<!tpu.dma_semaphore, #tpu.memory_space<semaphore_mem>>) src(%arg9 : memref<128x32xf32, #tpu.memory_space<vmem>>) dst(%dma_wait3A_38 : memref<51200x32xf32, #tpu.memory_space<vmem_shared>>)
        tpu.yield
      }) : () -> ()
    }
    %scan3A_13 = arith.constant 392 : i32
    %barrier3A_14 = arith.constant 0 : index
    tpu.barrier barrier_id(%barrier3A_14)
    %scan3A_15 = arith.constant 0 : i32
    %scan3A_16 = arith.constant 25 : i32
    %scan3A_17 = arith.addi %scan3A_15, %scan3A_16 : i32
    %scan3A_18 = arith.constant 1 : i32
    scf.for %scan3A_20 = %scan3A_15 to %scan3A_17 step %scan3A_18  : i32 {
      %mul3A = arith.constant 1 : i32
      %mul3A_21 = arith.muli %scan3A_20, %mul3A : i32
      %add3A = arith.constant 0 : i32
      %add3A_22 = arith.addi %add3A, %mul3A_21 : i32
      %mul3A_23 = arith.constant 3200 : i32
      %mul3A_24 = arith.muli %arg1, %mul3A_23 : i32
      %mul3A_25 = arith.constant 128 : i32
      %mul3A_26 = arith.muli %add3A_22, %mul3A_25 : i32
      %add3A_27 = arith.addi %mul3A_24, %mul3A_26 : i32
      "tpu.region"() ({
        %run_scoped3A = tpu.sem_alloc : memref<!tpu.dma_semaphore, #tpu.memory_space<semaphore_mem>>
        %dma_start3A = arith.constant 0 : i32
        %dma_start3A_31 = tpu.memref_slice %arg6[%add3A_27, %dma_start3A] : memref<51200x32xf32, #tpu.memory_space<vmem_shared>> -> memref<128x32xf32, #tpu.memory_space<vmem_shared>>
        %dma_start3A_32 = arith.constant 0 : i32
        %dma_start3A_33 = tpu.memref_slice %arg6[%add3A_27, %dma_start3A_32] : memref<51200x32xf32, #tpu.memory_space<vmem_shared>> -> memref<128x32xf32, #tpu.memory_space<vmem_shared>>
        tpu.enqueue_dma source(%dma_start3A_33 : memref<128x32xf32, #tpu.memory_space<vmem_shared>>) target(%arg9 : memref<128x32xf32, #tpu.memory_space<vmem>>) target_semaphore(%run_scoped3A : memref<!tpu.dma_semaphore, #tpu.memory_space<semaphore_mem>>)
        %dma_wait3A = arith.constant 0 : i32
        %dma_wait3A_34 = tpu.memref_slice %arg6[%add3A_27, %dma_wait3A] : memref<51200x32xf32, #tpu.memory_space<vmem_shared>> -> memref<128x32xf32, #tpu.memory_space<vmem_shared>>
        %dma_wait3A_35 = arith.constant 0 : i32
        %dma_wait3A_36 = tpu.memref_slice %arg6[%add3A_27, %dma_wait3A_35] : memref<51200x32xf32, #tpu.memory_space<vmem_shared>> -> memref<128x32xf32, #tpu.memory_space<vmem_shared>>
        tpu.wait_dma2 semaphore(%run_scoped3A : memref<!tpu.dma_semaphore, #tpu.memory_space<semaphore_mem>>) src(%dma_wait3A_36 : memref<128x32xf32, #tpu.memory_space<vmem_shared>>) dst(%arg9 : memref<128x32xf32, #tpu.memory_space<vmem>>)
        tpu.yield
      }) : () -> ()
      %mul3A_28 = arith.constant 51200 : i32
      %mul3A_29 = arith.muli %arg0, %mul3A_28 : i32
      %add3A_30 = arith.addi %mul3A_29, %add3A_27 : i32
      "tpu.region"() ({
        %run_scoped3A = tpu.sem_alloc : memref<!tpu.dma_semaphore, #tpu.memory_space<semaphore_mem>>
        %dma_start3A = arith.constant 0 : i32
        %dma_start3A_31 = tpu.memref_slice %arg5[%add3A_30, %dma_start3A] : memref<102400x32xf32, #tpu.memory_space<hbm>> -> memref<128x32xf32, #tpu.memory_space<hbm>>
        %dma_start3A_32 = arith.constant 0 : i32
        %dma_start3A_33 = tpu.memref_slice %arg5[%add3A_30, %dma_start3A_32] : memref<102400x32xf32, #tpu.memory_space<hbm>> -> memref<128x32xf32, #tpu.memory_space<hbm>>
        tpu.enqueue_dma source(%arg9 : memref<128x32xf32, #tpu.memory_space<vmem>>) target(%dma_start3A_33 : memref<128x32xf32, #tpu.memory_space<hbm>>) target_semaphore(%run_scoped3A : memref<!tpu.dma_semaphore, #tpu.memory_space<semaphore_mem>>)
        %dma_wait3A = arith.constant 0 : i32
        %dma_wait3A_34 = tpu.memref_slice %arg5[%add3A_30, %dma_wait3A] : memref<102400x32xf32, #tpu.memory_space<hbm>> -> memref<128x32xf32, #tpu.memory_space<hbm>>
        %dma_wait3A_35 = arith.constant 0 : i32
        %dma_wait3A_36 = tpu.memref_slice %arg5[%add3A_30, %dma_wait3A_35] : memref<102400x32xf32, #tpu.memory_space<hbm>> -> memref<128x32xf32, #tpu.memory_space<hbm>>
        tpu.wait_dma2 semaphore(%run_scoped3A : memref<!tpu.dma_semaphore, #tpu.memory_space<semaphore_mem>>) src(%arg9 : memref<128x32xf32, #tpu.memory_space<vmem>>) dst(%dma_wait3A_36 : memref<128x32xf32, #tpu.memory_space<hbm>>)
        tpu.yield
      }) : () -> ()
    }
    %scan3A_19 = arith.constant 25 : i32
    return
  }
}

#map = affine_map<(d0, d1) -> (0, 0)>
module attributes {stable_mosaic.version = 14 : i64} {
  func.func @_propagate_kernel(%arg0: i32, %arg1: i32, %arg2: memref<102400x32xf32, #tpu.memory_space<hbm>>, %arg3: memref<6272x128xi32, #tpu.memory_space<hbm>>, %arg4: memref<12544x128xi32, #tpu.memory_space<hbm>>, %arg5: memref<102400x32xf32, #tpu.memory_space<hbm>>, %arg6: memref<51200x32xf32, #tpu.memory_space<vmem_shared>>, %arg7: memref<128xi32, #tpu.memory_space<vmem>>, %arg8: memref<128xi32, #tpu.memory_space<vmem>>, %arg9: memref<128x32xf32, #tpu.memory_space<vmem>>, %arg10: memref<!tpu.dma_semaphore, #tpu.memory_space<semaphore_mem>>) attributes {dimension_semantics = [#tpu.dimension_semantics<core_parallel>, #tpu.dimension_semantics<subcore_parallel>], iteration_bounds = array<i64: 2, 16>, scalar_prefetch = 0 : i64, scratch_operands = 5 : i64, tpu.core_type = #tpu.core_type<sc_vector_subcore>, window_params = [{transform_indices = #map}, {transform_indices = #map}, {transform_indices = #map}, {transform_indices = #map}]} {
    %scan3A = arith.constant 0 : i32
    %scan3A_0 = arith.constant 128 : i32
    %scan3A_1 = arith.addi %scan3A, %scan3A_0 : i32
    %scan3A_2 = arith.constant 1 : i32
    scf.for %scan3A_20 = %scan3A to %scan3A_1 step %scan3A_2  : i32 {
      %mul3A = arith.constant 1 : i32
      %mul3A_21 = arith.muli %scan3A_20, %mul3A : i32
      %add3A = arith.constant 0 : i32
      %add3A_22 = arith.addi %add3A, %mul3A_21 : i32
      %broadcast_in_dim3A = arith.constant 0.000000e+00 : f32
      %broadcast_in_dim3A_23 = vector.broadcast %broadcast_in_dim3A : f32 to vector<16xf32>
      %swap3A = arith.index_cast %add3A_22 : i32 to index
      %swap3A_24 = arith.constant 0 : index
      %swap3A_25 = tpu.vector_load %arg9[%swap3A, %swap3A_24] {strides = array<i32>} : memref<128x32xf32, #tpu.memory_space<vmem>>, vector<1x16xf32>,
      %swap3A_26 = vector.shape_cast %swap3A_25 : vector<1x16xf32> to vector<16xf32>
      %swap3A_27 = vector.shape_cast %broadcast_in_dim3A_23 : vector<16xf32> to vector<1x16xf32>
      tpu.vector_store %arg9[%swap3A, %swap3A_24], %swap3A_27 {strides = array<i32>} : memref<128x32xf32, #tpu.memory_space<vmem>>, vector<1x16xf32>,
      %broadcast_in_dim3A_28 = arith.constant 0.000000e+00 : f32
      %broadcast_in_dim3A_29 = vector.broadcast %broadcast_in_dim3A_28 : f32 to vector<16xf32>
      %swap3A_30 = arith.index_cast %add3A_22 : i32 to index
      %swap3A_31 = arith.constant 16 : index
      %swap3A_32 = tpu.vector_load %arg9[%swap3A_30, %swap3A_31] {strides = array<i32>} : memref<128x32xf32, #tpu.memory_space<vmem>>, vector<1x16xf32>,
      %swap3A_33 = vector.shape_cast %swap3A_32 : vector<1x16xf32> to vector<16xf32>
      %swap3A_34 = vector.shape_cast %broadcast_in_dim3A_29 : vector<16xf32> to vector<1x16xf32>
      tpu.vector_store %arg9[%swap3A_30, %swap3A_31], %swap3A_34 {strides = array<i32>} : memref<128x32xf32, #tpu.memory_space<vmem>>, vector<1x16xf32>,
    }
    %scan3A_3 = arith.constant 128 : i32
    %scan3A_4 = arith.constant 0 : i32
    %scan3A_5 = arith.constant 25 : i32
    %scan3A_6 = arith.addi %scan3A_4, %scan3A_5 : i32
    %scan3A_7 = arith.constant 1 : i32
    scf.for %scan3A_20 = %scan3A_4 to %scan3A_6 step %scan3A_7  : i32 {
      %mul3A = arith.constant 1 : i32
      %mul3A_21 = arith.muli %scan3A_20, %mul3A : i32
      %add3A = arith.constant 0 : i32
      %add3A_22 = arith.addi %add3A, %mul3A_21 : i32
      %mul3A_23 = arith.constant 3200 : i32
      %mul3A_24 = arith.muli %arg1, %mul3A_23 : i32
      %mul3A_25 = arith.constant 128 : i32
      %mul3A_26 = arith.muli %add3A_22, %mul3A_25 : i32
      %add3A_27 = arith.addi %mul3A_24, %mul3A_26 : i32
      "tpu.region"() ({
        %run_scoped3A = tpu.sem_alloc : memref<!tpu.dma_semaphore, #tpu.memory_space<semaphore_mem>>
        %dma_start3A = arith.constant 0 : i32
        %dma_start3A_28 = tpu.memref_slice %arg6[%add3A_27, %dma_start3A] : memref<51200x32xf32, #tpu.memory_space<vmem_shared>> -> memref<128x32xf32, #tpu.memory_space<vmem_shared>>
        %dma_start3A_29 = arith.constant 0 : i32
        %dma_start3A_30 = tpu.memref_slice %arg6[%add3A_27, %dma_start3A_29] : memref<51200x32xf32, #tpu.memory_space<vmem_shared>> -> memref<128x32xf32, #tpu.memory_space<vmem_shared>>
        tpu.enqueue_dma source(%arg9 : memref<128x32xf32, #tpu.memory_space<vmem>>) target(%dma_start3A_30 : memref<128x32xf32, #tpu.memory_space<vmem_shared>>) target_semaphore(%run_scoped3A : memref<!tpu.dma_semaphore, #tpu.memory_space<semaphore_mem>>)
        %dma_wait3A = arith.constant 0 : i32
        %dma_wait3A_31 = tpu.memref_slice %arg6[%add3A_27, %dma_wait3A] : memref<51200x32xf32, #tpu.memory_space<vmem_shared>> -> memref<128x32xf32, #tpu.memory_space<vmem_shared>>
        %dma_wait3A_32 = arith.constant 0 : i32
        %dma_wait3A_33 = tpu.memref_slice %arg6[%add3A_27, %dma_wait3A_32] : memref<51200x32xf32, #tpu.memory_space<vmem_shared>> -> memref<128x32xf32, #tpu.memory_space<vmem_shared>>
        tpu.wait_dma2 semaphore(%run_scoped3A : memref<!tpu.dma_semaphore, #tpu.memory_space<semaphore_mem>>) src(%arg9 : memref<128x32xf32, #tpu.memory_space<vmem>>) dst(%dma_wait3A_33 : memref<128x32xf32, #tpu.memory_space<vmem_shared>>)
        tpu.yield
      }) : () -> ()
    }
    %scan3A_8 = arith.constant 25 : i32
    %barrier3A = arith.constant 0 : index
    tpu.barrier barrier_id(%barrier3A)
    %scan3A_9 = arith.constant 0 : i32
    %scan3A_10 = arith.constant 392 : i32
    %scan3A_11 = arith.addi %scan3A_9, %scan3A_10 : i32
    %scan3A_12 = arith.constant 1 : i32
    scf.for %scan3A_20 = %scan3A_9 to %scan3A_11 step %scan3A_12  : i32 {
      %mul3A = arith.constant 1 : i32
      %mul3A_21 = arith.muli %scan3A_20, %mul3A : i32
      %add3A = arith.constant 0 : i32
      %add3A_22 = arith.addi %add3A, %mul3A_21 : i32
      %mul3A_23 = arith.constant 392 : i32
      %mul3A_24 = arith.muli %arg1, %mul3A_23 : i32
      %add3A_25 = arith.addi %mul3A_24, %add3A_22 : i32
      %mul3A_26 = arith.constant 6272 : i32
      %mul3A_27 = arith.muli %arg0, %mul3A_26 : i32
      %add3A_28 = arith.addi %mul3A_27, %add3A_25 : i32
      "tpu.region"() ({
        %run_scoped3A = tpu.sem_alloc : memref<!tpu.dma_semaphore, #tpu.memory_space<semaphore_mem>>
        %dma_start3A_33 = arith.constant 0 : i32
        %dma_start3A_34 = tpu.memref_slice %arg4[%add3A_28, %dma_start3A_33] : memref<12544x128xi32, #tpu.memory_space<hbm>> -> memref<1x128xi32, #tpu.memory_space<hbm>>
        %dma_start3A_35 = tpu.memref_squeeze %dma_start3A_34 : memref<1x128xi32, #tpu.memory_space<hbm>> -> memref<128xi32, #tpu.memory_space<hbm>>
        %dma_start3A_36 = arith.constant 0 : i32
        %dma_start3A_37 = tpu.memref_slice %arg4[%add3A_28, %dma_start3A_36] : memref<12544x128xi32, #tpu.memory_space<hbm>> -> memref<1x128xi32, #tpu.memory_space<hbm>>
        %dma_start3A_38 = tpu.memref_squeeze %dma_start3A_37 : memref<1x128xi32, #tpu.memory_space<hbm>> -> memref<128xi32, #tpu.memory_space<hbm>>
        tpu.enqueue_dma source(%dma_start3A_38 : memref<128xi32, #tpu.memory_space<hbm>>) target(%arg7 : memref<128xi32, #tpu.memory_space<vmem>>) target_semaphore(%run_scoped3A : memref<!tpu.dma_semaphore, #tpu.memory_space<semaphore_mem>>)
        %dma_wait3A_39 = arith.constant 0 : i32
        %dma_wait3A_40 = tpu.memref_slice %arg4[%add3A_28, %dma_wait3A_39] : memref<12544x128xi32, #tpu.memory_space<hbm>> -> memref<1x128xi32, #tpu.memory_space<hbm>>
        %dma_wait3A_41 = tpu.memref_squeeze %dma_wait3A_40 : memref<1x128xi32, #tpu.memory_space<hbm>> -> memref<128xi32, #tpu.memory_space<hbm>>
        %dma_wait3A_42 = arith.constant 0 : i32
        %dma_wait3A_43 = tpu.memref_slice %arg4[%add3A_28, %dma_wait3A_42] : memref<12544x128xi32, #tpu.memory_space<hbm>> -> memref<1x128xi32, #tpu.memory_space<hbm>>
        %dma_wait3A_44 = tpu.memref_squeeze %dma_wait3A_43 : memref<1x128xi32, #tpu.memory_space<hbm>> -> memref<128xi32, #tpu.memory_space<hbm>>
        tpu.wait_dma2 semaphore(%run_scoped3A : memref<!tpu.dma_semaphore, #tpu.memory_space<semaphore_mem>>) src(%dma_wait3A_44 : memref<128xi32, #tpu.memory_space<hbm>>) dst(%arg7 : memref<128xi32, #tpu.memory_space<vmem>>)
        tpu.yield
      }) : () -> ()
      %dma_start3A = arith.constant 0 : i32
      %dma_start3A_29 = arith.constant 0 : i32
      %dma_start3A_30 = tpu.memref_slice %arg2[%dma_start3A, %dma_start3A_29] : memref<102400x32xf32, #tpu.memory_space<hbm>> -> memref<102400x32xf32, #tpu.memory_space<hbm>>
      tpu.enqueue_indirect_dma source(%dma_start3A_30 : memref<102400x32xf32, #tpu.memory_space<hbm>>) target(%arg9 : memref<128x32xf32, #tpu.memory_space<vmem>>) offsets(%arg7 : memref<128xi32, #tpu.memory_space<vmem>>) semaphore(%arg10 : memref<!tpu.dma_semaphore, #tpu.memory_space<semaphore_mem>>)
      %dma_wait3A = arith.constant 0 : i32
      %dma_wait3A_31 = arith.constant 0 : i32
      %dma_wait3A_32 = tpu.memref_slice %arg2[%dma_wait3A, %dma_wait3A_31] : memref<102400x32xf32, #tpu.memory_space<hbm>> -> memref<102400x32xf32, #tpu.memory_space<hbm>>
      tpu.wait_indirect_dma semaphore(%arg10 : memref<!tpu.dma_semaphore, #tpu.memory_space<semaphore_mem>>) src(%dma_wait3A_32 : memref<102400x32xf32, #tpu.memory_space<hbm>>) dst(%arg9 : memref<128x32xf32, #tpu.memory_space<vmem>>)
      "tpu.region"() ({
        %run_scoped3A = tpu.sem_alloc : memref<!tpu.dma_semaphore, #tpu.memory_space<semaphore_mem>>
        %dma_start3A_33 = arith.constant 0 : i32
        %dma_start3A_34 = tpu.memref_slice %arg3[%add3A_25, %dma_start3A_33] : memref<6272x128xi32, #tpu.memory_space<hbm>> -> memref<1x128xi32, #tpu.memory_space<hbm>>
        %dma_start3A_35 = tpu.memref_squeeze %dma_start3A_34 : memref<1x128xi32, #tpu.memory_space<hbm>> -> memref<128xi32, #tpu.memory_space<hbm>>
        %dma_start3A_36 = arith.constant 0 : i32
        %dma_start3A_37 = tpu.memref_slice %arg3[%add3A_25, %dma_start3A_36] : memref<6272x128xi32, #tpu.memory_space<hbm>> -> memref<1x128xi32, #tpu.memory_space<hbm>>
        %dma_start3A_38 = tpu.memref_squeeze %dma_start3A_37 : memref<1x128xi32, #tpu.memory_space<hbm>> -> memref<128xi32, #tpu.memory_space<hbm>>
        tpu.enqueue_dma source(%dma_start3A_38 : memref<128xi32, #tpu.memory_space<hbm>>) target(%arg8 : memref<128xi32, #tpu.memory_space<vmem>>) target_semaphore(%run_scoped3A : memref<!tpu.dma_semaphore, #tpu.memory_space<semaphore_mem>>)
        %dma_wait3A_39 = arith.constant 0 : i32
        %dma_wait3A_40 = tpu.memref_slice %arg3[%add3A_25, %dma_wait3A_39] : memref<6272x128xi32, #tpu.memory_space<hbm>> -> memref<1x128xi32, #tpu.memory_space<hbm>>
        %dma_wait3A_41 = tpu.memref_squeeze %dma_wait3A_40 : memref<1x128xi32, #tpu.memory_space<hbm>> -> memref<128xi32, #tpu.memory_space<hbm>>
        %dma_wait3A_42 = arith.constant 0 : i32
        %dma_wait3A_43 = tpu.memref_slice %arg3[%add3A_25, %dma_wait3A_42] : memref<6272x128xi32, #tpu.memory_space<hbm>> -> memref<1x128xi32, #tpu.memory_space<hbm>>
        %dma_wait3A_44 = tpu.memref_squeeze %dma_wait3A_43 : memref<1x128xi32, #tpu.memory_space<hbm>> -> memref<128xi32, #tpu.memory_space<hbm>>
        tpu.wait_dma2 semaphore(%run_scoped3A : memref<!tpu.dma_semaphore, #tpu.memory_space<semaphore_mem>>) src(%dma_wait3A_44 : memref<128xi32, #tpu.memory_space<hbm>>) dst(%arg8 : memref<128xi32, #tpu.memory_space<vmem>>)
        tpu.yield
      }) : () -> ()
      "tpu.region"() ({
        %run_scoped3A = tpu.sem_alloc : memref<!tpu.dma_semaphore, #tpu.memory_space<semaphore_mem>>
        %dma_start3A_33 = arith.constant 0 : i32
        %dma_start3A_34 = arith.constant 0 : i32
        %dma_start3A_35 = tpu.memref_slice %arg6[%dma_start3A_33, %dma_start3A_34] : memref<51200x32xf32, #tpu.memory_space<vmem_shared>> -> memref<51200x32xf32, #tpu.memory_space<vmem_shared>>
        tpu.enqueue_indirect_dma source(%arg9 : memref<128x32xf32, #tpu.memory_space<vmem>>) target(%dma_start3A_35 : memref<51200x32xf32, #tpu.memory_space<vmem_shared>>) offsets(%arg8 : memref<128xi32, #tpu.memory_space<vmem>>) semaphore(%run_scoped3A : memref<!tpu.dma_semaphore, #tpu.memory_space<semaphore_mem>>) {add = true}
        %dma_wait3A_36 = arith.constant 0 : i32
        %dma_wait3A_37 = arith.constant 0 : i32
        %dma_wait3A_38 = tpu.memref_slice %arg6[%dma_wait3A_36, %dma_wait3A_37] : memref<51200x32xf32, #tpu.memory_space<vmem_shared>> -> memref<51200x32xf32, #tpu.memory_space<vmem_shared>>
        tpu.wait_indirect_dma semaphore(%run_scoped3A : memref<!tpu.dma_semaphore, #tpu.memory_space<semaphore_mem>>) src(%arg9 : memref<128x32xf32, #tpu.memory_space<vmem>>) dst(%dma_wait3A_38 : memref<51200x32xf32, #tpu.memory_space<vmem_shared>>)
        tpu.yield
      }) : () -> ()
    }
    %scan3A_13 = arith.constant 392 : i32
    %barrier3A_14 = arith.constant 0 : index
    tpu.barrier barrier_id(%barrier3A_14)
    %scan3A_15 = arith.constant 0 : i32
    %scan3A_16 = arith.constant 25 : i32
    %scan3A_17 = arith.addi %scan3A_15, %scan3A_16 : i32
    %scan3A_18 = arith.constant 1 : i32
    scf.for %scan3A_20 = %scan3A_15 to %scan3A_17 step %scan3A_18  : i32 {
      %mul3A = arith.constant 1 : i32
      %mul3A_21 = arith.muli %scan3A_20, %mul3A : i32
      %add3A = arith.constant 0 : i32
      %add3A_22 = arith.addi %add3A, %mul3A_21 : i32
      %mul3A_23 = arith.constant 3200 : i32
      %mul3A_24 = arith.muli %arg1, %mul3A_23 : i32
      %mul3A_25 = arith.constant 128 : i32
      %mul3A_26 = arith.muli %add3A_22, %mul3A_25 : i32
      %add3A_27 = arith.addi %mul3A_24, %mul3A_26 : i32
      "tpu.region"() ({
        %run_scoped3A = tpu.sem_alloc : memref<!tpu.dma_semaphore, #tpu.memory_space<semaphore_mem>>
        %dma_start3A = arith.constant 0 : i32
        %dma_start3A_31 = tpu.memref_slice %arg6[%add3A_27, %dma_start3A] : memref<51200x32xf32, #tpu.memory_space<vmem_shared>> -> memref<128x32xf32, #tpu.memory_space<vmem_shared>>
        %dma_start3A_32 = arith.constant 0 : i32
        %dma_start3A_33 = tpu.memref_slice %arg6[%add3A_27, %dma_start3A_32] : memref<51200x32xf32, #tpu.memory_space<vmem_shared>> -> memref<128x32xf32, #tpu.memory_space<vmem_shared>>
        tpu.enqueue_dma source(%dma_start3A_33 : memref<128x32xf32, #tpu.memory_space<vmem_shared>>) target(%arg9 : memref<128x32xf32, #tpu.memory_space<vmem>>) target_semaphore(%run_scoped3A : memref<!tpu.dma_semaphore, #tpu.memory_space<semaphore_mem>>)
        %dma_wait3A = arith.constant 0 : i32
        %dma_wait3A_34 = tpu.memref_slice %arg6[%add3A_27, %dma_wait3A] : memref<51200x32xf32, #tpu.memory_space<vmem_shared>> -> memref<128x32xf32, #tpu.memory_space<vmem_shared>>
        %dma_wait3A_35 = arith.constant 0 : i32
        %dma_wait3A_36 = tpu.memref_slice %arg6[%add3A_27, %dma_wait3A_35] : memref<51200x32xf32, #tpu.memory_space<vmem_shared>> -> memref<128x32xf32, #tpu.memory_space<vmem_shared>>
        tpu.wait_dma2 semaphore(%run_scoped3A : memref<!tpu.dma_semaphore, #tpu.memory_space<semaphore_mem>>) src(%dma_wait3A_36 : memref<128x32xf32, #tpu.memory_space<vmem_shared>>) dst(%arg9 : memref<128x32xf32, #tpu.memory_space<vmem>>)
        tpu.yield
      }) : () -> ()
      %mul3A_28 = arith.constant 51200 : i32
      %mul3A_29 = arith.muli %arg0, %mul3A_28 : i32
      %add3A_30 = arith.addi %mul3A_29, %add3A_27 : i32
      "tpu.region"() ({
        %run_scoped3A = tpu.sem_alloc : memref<!tpu.dma_semaphore, #tpu.memory_space<semaphore_mem>>
        %dma_start3A = arith.constant 0 : i32
        %dma_start3A_31 = tpu.memref_slice %arg5[%add3A_30, %dma_start3A] : memref<102400x32xf32, #tpu.memory_space<hbm>> -> memref<128x32xf32, #tpu.memory_space<hbm>>
        %dma_start3A_32 = arith.constant 0 : i32
        %dma_start3A_33 = tpu.memref_slice %arg5[%add3A_30, %dma_start3A_32] : memref<102400x32xf32, #tpu.memory_space<hbm>> -> memref<128x32xf32, #tpu.memory_space<hbm>>
        tpu.enqueue_dma source(%arg9 : memref<128x32xf32, #tpu.memory_space<vmem>>) target(%dma_start3A_33 : memref<128x32xf32, #tpu.memory_space<hbm>>) target_semaphore(%run_scoped3A : memref<!tpu.dma_semaphore, #tpu.memory_space<semaphore_mem>>)
        %dma_wait3A = arith.constant 0 : i32
        %dma_wait3A_34 = tpu.memref_slice %arg5[%add3A_30, %dma_wait3A] : memref<102400x32xf32, #tpu.memory_space<hbm>> -> memref<128x32xf32, #tpu.memory_space<hbm>>
        %dma_wait3A_35 = arith.constant 0 : i32
        %dma_wait3A_36 = tpu.memref_slice %arg5[%add3A_30, %dma_wait3A_35] : memref<102400x32xf32, #tpu.memory_space<hbm>> -> memref<128x32xf32, #tpu.memory_space<hbm>>
        tpu.wait_dma2 semaphore(%run_scoped3A : memref<!tpu.dma_semaphore, #tpu.memory_space<semaphore_mem>>) src(%arg9 : memref<128x32xf32, #tpu.memory_space<vmem>>) dst(%dma_wait3A_36 : memref<128x32xf32, #tpu.memory_space<hbm>>)
        tpu.yield
      }) : () -> ()
    }
    %scan3A_19 = arith.constant 25 : i32
    return
  }
}

#map = affine_map<(d0, d1) -> (0, 0)>
module attributes {stable_mosaic.version = 14 : i64} {
  func.func @_propagate_kernel(%arg0: i32, %arg1: i32, %arg2: memref<102400x32xf32, #tpu.memory_space<hbm>>, %arg3: memref<6272x128xi32, #tpu.memory_space<hbm>>, %arg4: memref<12544x128xi32, #tpu.memory_space<hbm>>, %arg5: memref<102400x32xf32, #tpu.memory_space<hbm>>, %arg6: memref<51200x32xf32, #tpu.memory_space<vmem_shared>>, %arg7: memref<128xi32, #tpu.memory_space<vmem>>, %arg8: memref<128xi32, #tpu.memory_space<vmem>>, %arg9: memref<128x32xf32, #tpu.memory_space<vmem>>, %arg10: memref<!tpu.dma_semaphore, #tpu.memory_space<semaphore_mem>>) attributes {dimension_semantics = [#tpu.dimension_semantics<core_parallel>, #tpu.dimension_semantics<subcore_parallel>], iteration_bounds = array<i64: 2, 16>, scalar_prefetch = 0 : i64, scratch_operands = 5 : i64, tpu.core_type = #tpu.core_type<sc_vector_subcore>, window_params = [{transform_indices = #map}, {transform_indices = #map}, {transform_indices = #map}, {transform_indices = #map}]} {
    %scan3A = arith.constant 0 : i32
    %scan3A_0 = arith.constant 128 : i32
    %scan3A_1 = arith.addi %scan3A, %scan3A_0 : i32
    %scan3A_2 = arith.constant 1 : i32
    scf.for %scan3A_20 = %scan3A to %scan3A_1 step %scan3A_2  : i32 {
      %mul3A = arith.constant 1 : i32
      %mul3A_21 = arith.muli %scan3A_20, %mul3A : i32
      %add3A = arith.constant 0 : i32
      %add3A_22 = arith.addi %add3A, %mul3A_21 : i32
      %broadcast_in_dim3A = arith.constant 0.000000e+00 : f32
      %broadcast_in_dim3A_23 = vector.broadcast %broadcast_in_dim3A : f32 to vector<16xf32>
      %swap3A = arith.index_cast %add3A_22 : i32 to index
      %swap3A_24 = arith.constant 0 : index
      %swap3A_25 = tpu.vector_load %arg9[%swap3A, %swap3A_24] {strides = array<i32>} : memref<128x32xf32, #tpu.memory_space<vmem>>, vector<1x16xf32>,
      %swap3A_26 = vector.shape_cast %swap3A_25 : vector<1x16xf32> to vector<16xf32>
      %swap3A_27 = vector.shape_cast %broadcast_in_dim3A_23 : vector<16xf32> to vector<1x16xf32>
      tpu.vector_store %arg9[%swap3A, %swap3A_24], %swap3A_27 {strides = array<i32>} : memref<128x32xf32, #tpu.memory_space<vmem>>, vector<1x16xf32>,
      %broadcast_in_dim3A_28 = arith.constant 0.000000e+00 : f32
      %broadcast_in_dim3A_29 = vector.broadcast %broadcast_in_dim3A_28 : f32 to vector<16xf32>
      %swap3A_30 = arith.index_cast %add3A_22 : i32 to index
      %swap3A_31 = arith.constant 16 : index
      %swap3A_32 = tpu.vector_load %arg9[%swap3A_30, %swap3A_31] {strides = array<i32>} : memref<128x32xf32, #tpu.memory_space<vmem>>, vector<1x16xf32>,
      %swap3A_33 = vector.shape_cast %swap3A_32 : vector<1x16xf32> to vector<16xf32>
      %swap3A_34 = vector.shape_cast %broadcast_in_dim3A_29 : vector<16xf32> to vector<1x16xf32>
      tpu.vector_store %arg9[%swap3A_30, %swap3A_31], %swap3A_34 {strides = array<i32>} : memref<128x32xf32, #tpu.memory_space<vmem>>, vector<1x16xf32>,
    }
    %scan3A_3 = arith.constant 128 : i32
    %scan3A_4 = arith.constant 0 : i32
    %scan3A_5 = arith.constant 25 : i32
    %scan3A_6 = arith.addi %scan3A_4, %scan3A_5 : i32
    %scan3A_7 = arith.constant 1 : i32
    scf.for %scan3A_20 = %scan3A_4 to %scan3A_6 step %scan3A_7  : i32 {
      %mul3A = arith.constant 1 : i32
      %mul3A_21 = arith.muli %scan3A_20, %mul3A : i32
      %add3A = arith.constant 0 : i32
      %add3A_22 = arith.addi %add3A, %mul3A_21 : i32
      %mul3A_23 = arith.constant 3200 : i32
      %mul3A_24 = arith.muli %arg1, %mul3A_23 : i32
      %mul3A_25 = arith.constant 128 : i32
      %mul3A_26 = arith.muli %add3A_22, %mul3A_25 : i32
      %add3A_27 = arith.addi %mul3A_24, %mul3A_26 : i32
      "tpu.region"() ({
        %run_scoped3A = tpu.sem_alloc : memref<!tpu.dma_semaphore, #tpu.memory_space<semaphore_mem>>
        %dma_start3A = arith.constant 0 : i32
        %dma_start3A_28 = tpu.memref_slice %arg6[%add3A_27, %dma_start3A] : memref<51200x32xf32, #tpu.memory_space<vmem_shared>> -> memref<128x32xf32, #tpu.memory_space<vmem_shared>>
        %dma_start3A_29 = arith.constant 0 : i32
        %dma_start3A_30 = tpu.memref_slice %arg6[%add3A_27, %dma_start3A_29] : memref<51200x32xf32, #tpu.memory_space<vmem_shared>> -> memref<128x32xf32, #tpu.memory_space<vmem_shared>>
        tpu.enqueue_dma source(%arg9 : memref<128x32xf32, #tpu.memory_space<vmem>>) target(%dma_start3A_30 : memref<128x32xf32, #tpu.memory_space<vmem_shared>>) target_semaphore(%run_scoped3A : memref<!tpu.dma_semaphore, #tpu.memory_space<semaphore_mem>>)
        %dma_wait3A = arith.constant 0 : i32
        %dma_wait3A_31 = tpu.memref_slice %arg6[%add3A_27, %dma_wait3A] : memref<51200x32xf32, #tpu.memory_space<vmem_shared>> -> memref<128x32xf32, #tpu.memory_space<vmem_shared>>
        %dma_wait3A_32 = arith.constant 0 : i32
        %dma_wait3A_33 = tpu.memref_slice %arg6[%add3A_27, %dma_wait3A_32] : memref<51200x32xf32, #tpu.memory_space<vmem_shared>> -> memref<128x32xf32, #tpu.memory_space<vmem_shared>>
        tpu.wait_dma2 semaphore(%run_scoped3A : memref<!tpu.dma_semaphore, #tpu.memory_space<semaphore_mem>>) src(%arg9 : memref<128x32xf32, #tpu.memory_space<vmem>>) dst(%dma_wait3A_33 : memref<128x32xf32, #tpu.memory_space<vmem_shared>>)
        tpu.yield
      }) : () -> ()
    }
    %scan3A_8 = arith.constant 25 : i32
    %barrier3A = arith.constant 0 : index
    tpu.barrier barrier_id(%barrier3A)
    %scan3A_9 = arith.constant 0 : i32
    %scan3A_10 = arith.constant 392 : i32
    %scan3A_11 = arith.addi %scan3A_9, %scan3A_10 : i32
    %scan3A_12 = arith.constant 1 : i32
    scf.for %scan3A_20 = %scan3A_9 to %scan3A_11 step %scan3A_12  : i32 {
      %mul3A = arith.constant 1 : i32
      %mul3A_21 = arith.muli %scan3A_20, %mul3A : i32
      %add3A = arith.constant 0 : i32
      %add3A_22 = arith.addi %add3A, %mul3A_21 : i32
      %mul3A_23 = arith.constant 392 : i32
      %mul3A_24 = arith.muli %arg1, %mul3A_23 : i32
      %add3A_25 = arith.addi %mul3A_24, %add3A_22 : i32
      %mul3A_26 = arith.constant 6272 : i32
      %mul3A_27 = arith.muli %arg0, %mul3A_26 : i32
      %add3A_28 = arith.addi %mul3A_27, %add3A_25 : i32
      "tpu.region"() ({
        %run_scoped3A = tpu.sem_alloc : memref<!tpu.dma_semaphore, #tpu.memory_space<semaphore_mem>>
        %dma_start3A_33 = arith.constant 0 : i32
        %dma_start3A_34 = tpu.memref_slice %arg4[%add3A_28, %dma_start3A_33] : memref<12544x128xi32, #tpu.memory_space<hbm>> -> memref<1x128xi32, #tpu.memory_space<hbm>>
        %dma_start3A_35 = tpu.memref_squeeze %dma_start3A_34 : memref<1x128xi32, #tpu.memory_space<hbm>> -> memref<128xi32, #tpu.memory_space<hbm>>
        %dma_start3A_36 = arith.constant 0 : i32
        %dma_start3A_37 = tpu.memref_slice %arg4[%add3A_28, %dma_start3A_36] : memref<12544x128xi32, #tpu.memory_space<hbm>> -> memref<1x128xi32, #tpu.memory_space<hbm>>
        %dma_start3A_38 = tpu.memref_squeeze %dma_start3A_37 : memref<1x128xi32, #tpu.memory_space<hbm>> -> memref<128xi32, #tpu.memory_space<hbm>>
        tpu.enqueue_dma source(%dma_start3A_38 : memref<128xi32, #tpu.memory_space<hbm>>) target(%arg7 : memref<128xi32, #tpu.memory_space<vmem>>) target_semaphore(%run_scoped3A : memref<!tpu.dma_semaphore, #tpu.memory_space<semaphore_mem>>)
        %dma_wait3A_39 = arith.constant 0 : i32
        %dma_wait3A_40 = tpu.memref_slice %arg4[%add3A_28, %dma_wait3A_39] : memref<12544x128xi32, #tpu.memory_space<hbm>> -> memref<1x128xi32, #tpu.memory_space<hbm>>
        %dma_wait3A_41 = tpu.memref_squeeze %dma_wait3A_40 : memref<1x128xi32, #tpu.memory_space<hbm>> -> memref<128xi32, #tpu.memory_space<hbm>>
        %dma_wait3A_42 = arith.constant 0 : i32
        %dma_wait3A_43 = tpu.memref_slice %arg4[%add3A_28, %dma_wait3A_42] : memref<12544x128xi32, #tpu.memory_space<hbm>> -> memref<1x128xi32, #tpu.memory_space<hbm>>
        %dma_wait3A_44 = tpu.memref_squeeze %dma_wait3A_43 : memref<1x128xi32, #tpu.memory_space<hbm>> -> memref<128xi32, #tpu.memory_space<hbm>>
        tpu.wait_dma2 semaphore(%run_scoped3A : memref<!tpu.dma_semaphore, #tpu.memory_space<semaphore_mem>>) src(%dma_wait3A_44 : memref<128xi32, #tpu.memory_space<hbm>>) dst(%arg7 : memref<128xi32, #tpu.memory_space<vmem>>)
        tpu.yield
      }) : () -> ()
      %dma_start3A = arith.constant 0 : i32
      %dma_start3A_29 = arith.constant 0 : i32
      %dma_start3A_30 = tpu.memref_slice %arg2[%dma_start3A, %dma_start3A_29] : memref<102400x32xf32, #tpu.memory_space<hbm>> -> memref<102400x32xf32, #tpu.memory_space<hbm>>
      tpu.enqueue_indirect_dma source(%dma_start3A_30 : memref<102400x32xf32, #tpu.memory_space<hbm>>) target(%arg9 : memref<128x32xf32, #tpu.memory_space<vmem>>) offsets(%arg7 : memref<128xi32, #tpu.memory_space<vmem>>) semaphore(%arg10 : memref<!tpu.dma_semaphore, #tpu.memory_space<semaphore_mem>>)
      %dma_wait3A = arith.constant 0 : i32
      %dma_wait3A_31 = arith.constant 0 : i32
      %dma_wait3A_32 = tpu.memref_slice %arg2[%dma_wait3A, %dma_wait3A_31] : memref<102400x32xf32, #tpu.memory_space<hbm>> -> memref<102400x32xf32, #tpu.memory_space<hbm>>
      tpu.wait_indirect_dma semaphore(%arg10 : memref<!tpu.dma_semaphore, #tpu.memory_space<semaphore_mem>>) src(%dma_wait3A_32 : memref<102400x32xf32, #tpu.memory_space<hbm>>) dst(%arg9 : memref<128x32xf32, #tpu.memory_space<vmem>>)
      "tpu.region"() ({
        %run_scoped3A = tpu.sem_alloc : memref<!tpu.dma_semaphore, #tpu.memory_space<semaphore_mem>>
        %dma_start3A_33 = arith.constant 0 : i32
        %dma_start3A_34 = tpu.memref_slice %arg3[%add3A_25, %dma_start3A_33] : memref<6272x128xi32, #tpu.memory_space<hbm>> -> memref<1x128xi32, #tpu.memory_space<hbm>>
        %dma_start3A_35 = tpu.memref_squeeze %dma_start3A_34 : memref<1x128xi32, #tpu.memory_space<hbm>> -> memref<128xi32, #tpu.memory_space<hbm>>
        %dma_start3A_36 = arith.constant 0 : i32
        %dma_start3A_37 = tpu.memref_slice %arg3[%add3A_25, %dma_start3A_36] : memref<6272x128xi32, #tpu.memory_space<hbm>> -> memref<1x128xi32, #tpu.memory_space<hbm>>
        %dma_start3A_38 = tpu.memref_squeeze %dma_start3A_37 : memref<1x128xi32, #tpu.memory_space<hbm>> -> memref<128xi32, #tpu.memory_space<hbm>>
        tpu.enqueue_dma source(%dma_start3A_38 : memref<128xi32, #tpu.memory_space<hbm>>) target(%arg8 : memref<128xi32, #tpu.memory_space<vmem>>) target_semaphore(%run_scoped3A : memref<!tpu.dma_semaphore, #tpu.memory_space<semaphore_mem>>)
        %dma_wait3A_39 = arith.constant 0 : i32
        %dma_wait3A_40 = tpu.memref_slice %arg3[%add3A_25, %dma_wait3A_39] : memref<6272x128xi32, #tpu.memory_space<hbm>> -> memref<1x128xi32, #tpu.memory_space<hbm>>
        %dma_wait3A_41 = tpu.memref_squeeze %dma_wait3A_40 : memref<1x128xi32, #tpu.memory_space<hbm>> -> memref<128xi32, #tpu.memory_space<hbm>>
        %dma_wait3A_42 = arith.constant 0 : i32
        %dma_wait3A_43 = tpu.memref_slice %arg3[%add3A_25, %dma_wait3A_42] : memref<6272x128xi32, #tpu.memory_space<hbm>> -> memref<1x128xi32, #tpu.memory_space<hbm>>
        %dma_wait3A_44 = tpu.memref_squeeze %dma_wait3A_43 : memref<1x128xi32, #tpu.memory_space<hbm>> -> memref<128xi32, #tpu.memory_space<hbm>>
        tpu.wait_dma2 semaphore(%run_scoped3A : memref<!tpu.dma_semaphore, #tpu.memory_space<semaphore_mem>>) src(%dma_wait3A_44 : memref<128xi32, #tpu.memory_space<hbm>>) dst(%arg8 : memref<128xi32, #tpu.memory_space<vmem>>)
        tpu.yield
      }) : () -> ()
      "tpu.region"() ({
        %run_scoped3A = tpu.sem_alloc : memref<!tpu.dma_semaphore, #tpu.memory_space<semaphore_mem>>
        %dma_start3A_33 = arith.constant 0 : i32
        %dma_start3A_34 = arith.constant 0 : i32
        %dma_start3A_35 = tpu.memref_slice %arg6[%dma_start3A_33, %dma_start3A_34] : memref<51200x32xf32, #tpu.memory_space<vmem_shared>> -> memref<51200x32xf32, #tpu.memory_space<vmem_shared>>
        tpu.enqueue_indirect_dma source(%arg9 : memref<128x32xf32, #tpu.memory_space<vmem>>) target(%dma_start3A_35 : memref<51200x32xf32, #tpu.memory_space<vmem_shared>>) offsets(%arg8 : memref<128xi32, #tpu.memory_space<vmem>>) semaphore(%run_scoped3A : memref<!tpu.dma_semaphore, #tpu.memory_space<semaphore_mem>>) {add = true}
        %dma_wait3A_36 = arith.constant 0 : i32
        %dma_wait3A_37 = arith.constant 0 : i32
        %dma_wait3A_38 = tpu.memref_slice %arg6[%dma_wait3A_36, %dma_wait3A_37] : memref<51200x32xf32, #tpu.memory_space<vmem_shared>> -> memref<51200x32xf32, #tpu.memory_space<vmem_shared>>
        tpu.wait_indirect_dma semaphore(%run_scoped3A : memref<!tpu.dma_semaphore, #tpu.memory_space<semaphore_mem>>) src(%arg9 : memref<128x32xf32, #tpu.memory_space<vmem>>) dst(%dma_wait3A_38 : memref<51200x32xf32, #tpu.memory_space<vmem_shared>>)
        tpu.yield
      }) : () -> ()
    }
    %scan3A_13 = arith.constant 392 : i32
    %barrier3A_14 = arith.constant 0 : index
    tpu.barrier barrier_id(%barrier3A_14)
    %scan3A_15 = arith.constant 0 : i32
    %scan3A_16 = arith.constant 25 : i32
    %scan3A_17 = arith.addi %scan3A_15, %scan3A_16 : i32
    %scan3A_18 = arith.constant 1 : i32
    scf.for %scan3A_20 = %scan3A_15 to %scan3A_17 step %scan3A_18  : i32 {
      %mul3A = arith.constant 1 : i32
      %mul3A_21 = arith.muli %scan3A_20, %mul3A : i32
      %add3A = arith.constant 0 : i32
      %add3A_22 = arith.addi %add3A, %mul3A_21 : i32
      %mul3A_23 = arith.constant 3200 : i32
      %mul3A_24 = arith.muli %arg1, %mul3A_23 : i32
      %mul3A_25 = arith.constant 128 : i32
      %mul3A_26 = arith.muli %add3A_22, %mul3A_25 : i32
      %add3A_27 = arith.addi %mul3A_24, %mul3A_26 : i32
      "tpu.region"() ({
        %run_scoped3A = tpu.sem_alloc : memref<!tpu.dma_semaphore, #tpu.memory_space<semaphore_mem>>
        %dma_start3A = arith.constant 0 : i32
        %dma_start3A_31 = tpu.memref_slice %arg6[%add3A_27, %dma_start3A] : memref<51200x32xf32, #tpu.memory_space<vmem_shared>> -> memref<128x32xf32, #tpu.memory_space<vmem_shared>>
        %dma_start3A_32 = arith.constant 0 : i32
        %dma_start3A_33 = tpu.memref_slice %arg6[%add3A_27, %dma_start3A_32] : memref<51200x32xf32, #tpu.memory_space<vmem_shared>> -> memref<128x32xf32, #tpu.memory_space<vmem_shared>>
        tpu.enqueue_dma source(%dma_start3A_33 : memref<128x32xf32, #tpu.memory_space<vmem_shared>>) target(%arg9 : memref<128x32xf32, #tpu.memory_space<vmem>>) target_semaphore(%run_scoped3A : memref<!tpu.dma_semaphore, #tpu.memory_space<semaphore_mem>>)
        %dma_wait3A = arith.constant 0 : i32
        %dma_wait3A_34 = tpu.memref_slice %arg6[%add3A_27, %dma_wait3A] : memref<51200x32xf32, #tpu.memory_space<vmem_shared>> -> memref<128x32xf32, #tpu.memory_space<vmem_shared>>
        %dma_wait3A_35 = arith.constant 0 : i32
        %dma_wait3A_36 = tpu.memref_slice %arg6[%add3A_27, %dma_wait3A_35] : memref<51200x32xf32, #tpu.memory_space<vmem_shared>> -> memref<128x32xf32, #tpu.memory_space<vmem_shared>>
        tpu.wait_dma2 semaphore(%run_scoped3A : memref<!tpu.dma_semaphore, #tpu.memory_space<semaphore_mem>>) src(%dma_wait3A_36 : memref<128x32xf32, #tpu.memory_space<vmem_shared>>) dst(%arg9 : memref<128x32xf32, #tpu.memory_space<vmem>>)
        tpu.yield
      }) : () -> ()
      %mul3A_28 = arith.constant 51200 : i32
      %mul3A_29 = arith.muli %arg0, %mul3A_28 : i32
      %add3A_30 = arith.addi %mul3A_29, %add3A_27 : i32
      "tpu.region"() ({
        %run_scoped3A = tpu.sem_alloc : memref<!tpu.dma_semaphore, #tpu.memory_space<semaphore_mem>>
        %dma_start3A = arith.constant 0 : i32
        %dma_start3A_31 = tpu.memref_slice %arg5[%add3A_30, %dma_start3A] : memref<102400x32xf32, #tpu.memory_space<hbm>> -> memref<128x32xf32, #tpu.memory_space<hbm>>
        %dma_start3A_32 = arith.constant 0 : i32
        %dma_start3A_33 = tpu.memref_slice %arg5[%add3A_30, %dma_start3A_32] : memref<102400x32xf32, #tpu.memory_space<hbm>> -> memref<128x32xf32, #tpu.memory_space<hbm>>
        tpu.enqueue_dma source(%arg9 : memref<128x32xf32, #tpu.memory_space<vmem>>) target(%dma_start3A_33 : memref<128x32xf32, #tpu.memory_space<hbm>>) target_semaphore(%run_scoped3A : memref<!tpu.dma_semaphore, #tpu.memory_space<semaphore_mem>>)
        %dma_wait3A = arith.constant 0 : i32
        %dma_wait3A_34 = tpu.memref_slice %arg5[%add3A_30, %dma_wait3A] : memref<102400x32xf32, #tpu.memory_space<hbm>> -> memref<128x32xf32, #tpu.memory_space<hbm>>
        %dma_wait3A_35 = arith.constant 0 : i32
        %dma_wait3A_36 = tpu.memref_slice %arg5[%add3A_30, %dma_wait3A_35] : memref<102400x32xf32, #tpu.memory_space<hbm>> -> memref<128x32xf32, #tpu.memory_space<hbm>>
        tpu.wait_dma2 semaphore(%run_scoped3A : memref<!tpu.dma_semaphore, #tpu.memory_space<semaphore_mem>>) src(%arg9 : memref<128x32xf32, #tpu.memory_space<vmem>>) dst(%dma_wait3A_36 : memref<128x32xf32, #tpu.memory_space<hbm>>)
        tpu.yield
      }) : () -> ()
    }
    %scan3A_19 = arith.constant 25 : i32
    return
  }
}

module attributes {stable_mosaic.version = 14 : i64} {
  func.func @_norm_body(%arg0: i32, %arg1: memref<3200x1xf32, #tpu.memory_space<vmem>>, %arg2: memref<3200x1xf32, #tpu.memory_space<vmem>>, %arg3: memref<3200x32xf32, #tpu.memory_space<vmem>>, %arg4: memref<3200x32xf32, #tpu.memory_space<vmem>>, %arg5: memref<3200x32xf32, #tpu.memory_space<vmem>>, %arg6: memref<3200x32xf32, #tpu.memory_space<vmem>>) attributes {dimension_semantics = [#tpu.dimension_semantics<arbitrary>], iteration_bounds = array<i64: 32>, scalar_prefetch = 0 : i64, scratch_operands = 0 : i64, tpu.core_type = #tpu.core_type<tc>, window_params = [{transform_indices = @transform_0, window_bounds = array<i64: 3200, 1>}, {transform_indices = @transform_1, window_bounds = array<i64: 3200, 1>}, {transform_indices = @transform_2, window_bounds = array<i64: 3200, 32>}, {transform_indices = @transform_3, window_bounds = array<i64: 3200, 32>}, {transform_indices = @transform_4, window_bounds = array<i64: 3200, 32>}, {transform_indices = @transform_5, window_bounds = array<i64: 3200, 32>}]} {
    %get3A = arith.constant 0 : index
    %get3A_0 = arith.constant 0 : index
    %get3A_1 = vector.load %arg1[%get3A, %get3A_0] : memref<3200x1xf32, #tpu.memory_space<vmem>>, vector<3200x1xf32>
    %get3A_2 = arith.constant 0 : index
    %get3A_3 = arith.constant 0 : index
    %get3A_4 = vector.load %arg2[%get3A_2, %get3A_3] : memref<3200x1xf32, #tpu.memory_space<vmem>>, vector<3200x1xf32>
    %add3A = arith.addf %get3A_1, %get3A_4 : vector<3200x1xf32>
    %gt3A = arith.constant 0.000000e+00 : f32
    %gt3A_5 = vector.broadcast %gt3A : f32 to vector<3200x1xf32>
    %gt3A_6 = arith.cmpf ogt, %add3A, %gt3A_5 : vector<3200x1xf32>
    %max3A = arith.constant 1.000000e+00 : f32
    %max3A_7 = vector.broadcast %max3A : f32 to vector<3200x1xf32>
    %max3A_8 = arith.maximumf %add3A, %max3A_7 : vector<3200x1xf32>
    %rsqrt3A = math.rsqrt %max3A_8 : vector<3200x1xf32>
    %jit3A = arith.constant 0.000000e+00 : f32
    %broadcast_in_dim3A = vector.broadcast %jit3A : f32 to vector<3200x1xf32>
    %select_n3A = arith.select %gt3A_6, %rsqrt3A, %broadcast_in_dim3A : vector<3200x1xi1>, vector<3200x1xf32>
    %broadcast_in_dim3A_9 = vector.shape_cast %select_n3A : vector<3200x1xf32> to vector<3200x1xf32>
    %broadcast_in_dim3A_10 = vector.broadcast %broadcast_in_dim3A_9 : vector<3200x1xf32> to vector<3200x32xf32>
    %swap3A = arith.constant 0 : index
    %swap3A_11 = arith.constant 0 : index
    %swap3A_12 = vector.load %arg4[%swap3A, %swap3A_11] : memref<3200x32xf32, #tpu.memory_space<vmem>>, vector<3200x32xf32>
    tpu.vector_store %arg4[%swap3A, %swap3A_11], %broadcast_in_dim3A_10 {strides = array<i32>} : memref<3200x32xf32, #tpu.memory_space<vmem>>, vector<3200x32xf32>,
    %mul3A = arith.mulf %select_n3A, %select_n3A : vector<3200x1xf32>
    %broadcast_in_dim3A_13 = vector.shape_cast %mul3A : vector<3200x1xf32> to vector<3200x1xf32>
    %broadcast_in_dim3A_14 = vector.broadcast %broadcast_in_dim3A_13 : vector<3200x1xf32> to vector<3200x32xf32>
    %swap3A_15 = arith.constant 0 : index
    %swap3A_16 = arith.constant 0 : index
    %swap3A_17 = vector.load %arg5[%swap3A_15, %swap3A_16] : memref<3200x32xf32, #tpu.memory_space<vmem>>, vector<3200x32xf32>
    tpu.vector_store %arg5[%swap3A_15, %swap3A_16], %broadcast_in_dim3A_14 {strides = array<i32>} : memref<3200x32xf32, #tpu.memory_space<vmem>>, vector<3200x32xf32>,
    %get3A_18 = arith.constant 0 : index
    %get3A_19 = arith.constant 0 : index
    %get3A_20 = vector.load %arg3[%get3A_18, %get3A_19] : memref<3200x32xf32, #tpu.memory_space<vmem>>, vector<3200x32xf32>
    %mul3A_21 = vector.broadcast %select_n3A : vector<3200x1xf32> to vector<3200x32xf32>
    %mul3A_22 = arith.mulf %get3A_20, %mul3A_21 : vector<3200x32xf32>
    %swap3A_23 = arith.constant 0 : index
    %swap3A_24 = arith.constant 0 : index
    %swap3A_25 = vector.load %arg6[%swap3A_23, %swap3A_24] : memref<3200x32xf32, #tpu.memory_space<vmem>>, vector<3200x32xf32>
    tpu.vector_store %arg6[%swap3A_23, %swap3A_24], %mul3A_22 {strides = array<i32>} : memref<3200x32xf32, #tpu.memory_space<vmem>>, vector<3200x32xf32>,
    return
  }
  func.func @transform_0(%arg0: i32) -> (i32, i32) {
    %jit3A = arith.constant 16 : i32
    %eq3A = arith.constant 0 : i32
    %eq3A_0 = arith.cmpi eq, %jit3A, %eq3A : i32
    %jit3A_1 = arith.constant 1 : i32
    %select_n3A = arith.select %eq3A_0, %jit3A_1, %jit3A : i32
    %rem3A = arith.remsi %arg0, %select_n3A : i32
    %ne3A = arith.constant 0 : i32
    %ne3A_2 = arith.cmpi ne, %rem3A, %ne3A : i32
    %lt3A = arith.constant 0 : i32
    %lt3A_3 = arith.cmpi slt, %rem3A, %lt3A : i32
    %lt3A_4 = arith.constant 0 : i32
    %lt3A_5 = arith.cmpi slt, %select_n3A, %lt3A_4 : i32
    %ne3A_6 = arith.xori %lt3A_3, %lt3A_5 : i1
    %and3A = arith.andi %ne3A_6, %ne3A_2 : i1
    %add3A = arith.addi %rem3A, %select_n3A : i32
    %select_n3A_7 = arith.select %and3A, %add3A, %rem3A : i32
    %c0_i32 = arith.constant 0 : i32
    %c0_i32_8 = arith.constant 0 : i32
    return %select_n3A_7, %c0_i32 : i32, i32
  }
  func.func @transform_1(%arg0: i32) -> (i32, i32) {
    %jit3A = arith.constant 16 : i32
    %eq3A = arith.constant 0 : i32
    %eq3A_0 = arith.cmpi eq, %jit3A, %eq3A : i32
    %jit3A_1 = arith.constant 1 : i32
    %select_n3A = arith.select %eq3A_0, %jit3A_1, %jit3A : i32
    %rem3A = arith.remsi %arg0, %select_n3A : i32
    %ne3A = arith.constant 0 : i32
    %ne3A_2 = arith.cmpi ne, %rem3A, %ne3A : i32
    %lt3A = arith.constant 0 : i32
    %lt3A_3 = arith.cmpi slt, %rem3A, %lt3A : i32
    %lt3A_4 = arith.constant 0 : i32
    %lt3A_5 = arith.cmpi slt, %select_n3A, %lt3A_4 : i32
    %ne3A_6 = arith.xori %lt3A_3, %lt3A_5 : i1
    %and3A = arith.andi %ne3A_6, %ne3A_2 : i1
    %add3A = arith.addi %rem3A, %select_n3A : i32
    %select_n3A_7 = arith.select %and3A, %add3A, %rem3A : i32
    %c0_i32 = arith.constant 0 : i32
    %c0_i32_8 = arith.constant 0 : i32
    return %select_n3A_7, %c0_i32 : i32, i32
  }
  func.func @transform_2(%arg0: i32) -> (i32, i32) {
    %c0_i32 = arith.constant 0 : i32
    %c0_i32_0 = arith.constant 0 : i32
    return %arg0, %c0_i32 : i32, i32
  }
  func.func @transform_3(%arg0: i32) -> (i32, i32) {
    %c0_i32 = arith.constant 0 : i32
    %c0_i32_0 = arith.constant 0 : i32
    return %arg0, %c0_i32 : i32, i32
  }
  func.func @transform_4(%arg0: i32) -> (i32, i32) {
    %c0_i32 = arith.constant 0 : i32
    %c0_i32_0 = arith.constant 0 : i32
    return %arg0, %c0_i32 : i32, i32
  }
  func.func @transform_5(%arg0: i32) -> (i32, i32) {
    %c0_i32 = arith.constant 0 : i32
    %c0_i32_0 = arith.constant 0 : i32
    return %arg0, %c0_i32 : i32, i32
  }
}

module attributes {stable_mosaic.version = 14 : i64} {
  func.func @_post_mid_body(%arg0: i32, %arg1: memref<3200x32xf32, #tpu.memory_space<vmem>>, %arg2: memref<3200x32xf32, #tpu.memory_space<vmem>>, %arg3: memref<3200x32xf32, #tpu.memory_space<vmem>>, %arg4: memref<3200x32xf32, #tpu.memory_space<vmem>>, %arg5: memref<3200x32xf32, #tpu.memory_space<vmem>>, %arg6: memref<3200x32xf32, #tpu.memory_space<vmem>>) attributes {dimension_semantics = [#tpu.dimension_semantics<arbitrary>], iteration_bounds = array<i64: 32>, scalar_prefetch = 0 : i64, scratch_operands = 0 : i64, tpu.core_type = #tpu.core_type<tc>, window_params = [{transform_indices = @transform_0, window_bounds = array<i64: 3200, 32>}, {transform_indices = @transform_1, window_bounds = array<i64: 3200, 32>}, {transform_indices = @transform_2, window_bounds = array<i64: 3200, 32>}, {transform_indices = @transform_3, window_bounds = array<i64: 3200, 32>}, {transform_indices = @transform_4, window_bounds = array<i64: 3200, 32>}, {transform_indices = @transform_5, window_bounds = array<i64: 3200, 32>}]} {
    %get3A = arith.constant 0 : index
    %get3A_0 = arith.constant 0 : index
    %get3A_1 = vector.load %arg1[%get3A, %get3A_0] : memref<3200x32xf32, #tpu.memory_space<vmem>>, vector<3200x32xf32>
    %get3A_2 = arith.constant 0 : index
    %get3A_3 = arith.constant 0 : index
    %get3A_4 = vector.load %arg4[%get3A_2, %get3A_3] : memref<3200x32xf32, #tpu.memory_space<vmem>>, vector<3200x32xf32>
    %mul3A = arith.mulf %get3A_1, %get3A_4 : vector<3200x32xf32>
    %swap3A = arith.constant 0 : index
    %swap3A_5 = arith.constant 0 : index
    %swap3A_6 = vector.load %arg5[%swap3A, %swap3A_5] : memref<3200x32xf32, #tpu.memory_space<vmem>>, vector<3200x32xf32>
    tpu.vector_store %arg5[%swap3A, %swap3A_5], %mul3A {strides = array<i32>} : memref<3200x32xf32, #tpu.memory_space<vmem>>, vector<3200x32xf32>,
    %get3A_7 = arith.constant 0 : index
    %get3A_8 = arith.constant 0 : index
    %get3A_9 = vector.load %arg2[%get3A_7, %get3A_8] : memref<3200x32xf32, #tpu.memory_space<vmem>>, vector<3200x32xf32>
    %get3A_10 = arith.constant 0 : index
    %get3A_11 = arith.constant 0 : index
    %get3A_12 = vector.load %arg3[%get3A_10, %get3A_11] : memref<3200x32xf32, #tpu.memory_space<vmem>>, vector<3200x32xf32>
    %mul3A_13 = arith.mulf %get3A_1, %get3A_12 : vector<3200x32xf32>
    %add3A = arith.addf %get3A_9, %mul3A_13 : vector<3200x32xf32>
    %swap3A_14 = arith.constant 0 : index
    %swap3A_15 = arith.constant 0 : index
    %swap3A_16 = vector.load %arg6[%swap3A_14, %swap3A_15] : memref<3200x32xf32, #tpu.memory_space<vmem>>, vector<3200x32xf32>
    tpu.vector_store %arg6[%swap3A_14, %swap3A_15], %add3A {strides = array<i32>} : memref<3200x32xf32, #tpu.memory_space<vmem>>, vector<3200x32xf32>,
    return
  }
  func.func @transform_0(%arg0: i32) -> (i32, i32) {
    %c0_i32 = arith.constant 0 : i32
    %c0_i32_0 = arith.constant 0 : i32
    return %arg0, %c0_i32 : i32, i32
  }
  func.func @transform_1(%arg0: i32) -> (i32, i32) {
    %c0_i32 = arith.constant 0 : i32
    %c0_i32_0 = arith.constant 0 : i32
    return %arg0, %c0_i32 : i32, i32
  }
  func.func @transform_2(%arg0: i32) -> (i32, i32) {
    %c0_i32 = arith.constant 0 : i32
    %c0_i32_0 = arith.constant 0 : i32
    return %arg0, %c0_i32 : i32, i32
  }
  func.func @transform_3(%arg0: i32) -> (i32, i32) {
    %c0_i32 = arith.constant 0 : i32
    %c0_i32_0 = arith.constant 0 : i32
    return %arg0, %c0_i32 : i32, i32
  }
  func.func @transform_4(%arg0: i32) -> (i32, i32) {
    %c0_i32 = arith.constant 0 : i32
    %c0_i32_0 = arith.constant 0 : i32
    return %arg0, %c0_i32 : i32, i32
  }
  func.func @transform_5(%arg0: i32) -> (i32, i32) {
    %c0_i32 = arith.constant 0 : i32
    %c0_i32_0 = arith.constant 0 : i32
    return %arg0, %c0_i32 : i32, i32
  }
}

module attributes {stable_mosaic.version = 14 : i64} {
  func.func @_post_last_body(%arg0: i32, %arg1: memref<3200x32xf32, #tpu.memory_space<vmem>>, %arg2: memref<3200x32xf32, #tpu.memory_space<vmem>>, %arg3: memref<3200x32xf32, #tpu.memory_space<vmem>>, %arg4: memref<3200x32xf32, #tpu.memory_space<vmem>>) attributes {dimension_semantics = [#tpu.dimension_semantics<arbitrary>], iteration_bounds = array<i64: 32>, scalar_prefetch = 0 : i64, scratch_operands = 0 : i64, tpu.core_type = #tpu.core_type<tc>, window_params = [{transform_indices = @transform_0, window_bounds = array<i64: 3200, 32>}, {transform_indices = @transform_1, window_bounds = array<i64: 3200, 32>}, {transform_indices = @transform_2, window_bounds = array<i64: 3200, 32>}, {transform_indices = @transform_3, window_bounds = array<i64: 3200, 32>}]} {
    %get3A = arith.constant 0 : index
    %get3A_0 = arith.constant 0 : index
    %get3A_1 = vector.load %arg2[%get3A, %get3A_0] : memref<3200x32xf32, #tpu.memory_space<vmem>>, vector<3200x32xf32>
    %get3A_2 = arith.constant 0 : index
    %get3A_3 = arith.constant 0 : index
    %get3A_4 = vector.load %arg1[%get3A_2, %get3A_3] : memref<3200x32xf32, #tpu.memory_space<vmem>>, vector<3200x32xf32>
    %get3A_5 = arith.constant 0 : index
    %get3A_6 = arith.constant 0 : index
    %get3A_7 = vector.load %arg3[%get3A_5, %get3A_6] : memref<3200x32xf32, #tpu.memory_space<vmem>>, vector<3200x32xf32>
    %mul3A = arith.mulf %get3A_4, %get3A_7 : vector<3200x32xf32>
    %add3A = arith.addf %get3A_1, %mul3A : vector<3200x32xf32>
    %mul3A_8 = arith.constant 2.500000e-01 : f32
    %mul3A_9 = vector.broadcast %mul3A_8 : f32 to vector<3200x32xf32>
    %mul3A_10 = arith.mulf %add3A, %mul3A_9 : vector<3200x32xf32>
    %swap3A = arith.constant 0 : index
    %swap3A_11 = arith.constant 0 : index
    %swap3A_12 = vector.load %arg4[%swap3A, %swap3A_11] : memref<3200x32xf32, #tpu.memory_space<vmem>>, vector<3200x32xf32>
    tpu.vector_store %arg4[%swap3A, %swap3A_11], %mul3A_10 {strides = array<i32>} : memref<3200x32xf32, #tpu.memory_space<vmem>>, vector<3200x32xf32>,
    return
  }
  func.func @transform_0(%arg0: i32) -> (i32, i32) {
    %c0_i32 = arith.constant 0 : i32
    %c0_i32_0 = arith.constant 0 : i32
    return %arg0, %c0_i32 : i32, i32
  }
  func.func @transform_1(%arg0: i32) -> (i32, i32) {
    %c0_i32 = arith.constant 0 : i32
    %c0_i32_0 = arith.constant 0 : i32
    return %arg0, %c0_i32 : i32, i32
  }
  func.func @transform_2(%arg0: i32) -> (i32, i32) {
    %c0_i32 = arith.constant 0 : i32
    %c0_i32_0 = arith.constant 0 : i32
    return %arg0, %c0_i32 : i32, i32
  }
  func.func @transform_3(%arg0: i32) -> (i32, i32) {
    %c0_i32 = arith.constant 0 : i32
    %c0_i32_0 = arith.constant 0 : i32
    return %arg0, %c0_i32 : i32, i32
  }
}

</mosaic_0001>

<sc_bundles>
// kernel: kernel.10.cloned.1.call-start
scs
__scs_entry_jumppad:
0x0: {  	(pc) =	sbr.rel $0x88, $3  }
0x1: {  	(tag) =	ssettag $0x0;
	lr =	simm.s32 $0x1  }
0x2: {  	[smem:$0x3F9E] =	sst lr;
	_ =	strace $0xD0000000  }
0x3: {  	_ = 	snop  }
0x4: {  	_ = 	snop  }
0x5: {  	_ = 	snop  }
0x6: {  	_ = 	snop  }
0x7: {  	_ = 	snop  }
__scs_overlays_trampoline_lowered:
0x8: {  	[smem:$0x3FAD] =	sst s0  }
0x9: {  	[smem:$0x3FAE] =	sst s1  }
0xa: {  	[smem:$0x3FAF] =	sst s2  }
0xb: {  	[smem:$0x3FB0] =	sst s3  }
0xc: {  	[smem:$0x3FB1] =	sst s4  }
0xd: {  	[smem:$0x3FB2] =	sst s5  }
0xe: {  	[smem:$0x3FB3] =	sst s6  }
0xf: {  	[smem:$0x3FB4] =	sst s7  }
0x10: {  	[smem:$0x3FB5] =	sst s8  }
0x11: {  	[smem:$0x3FB6] =	sst s9;
	s0 =	simm.s32 @!p0 $0x0  }
0x12: {  	s1 =	sld [smem:$0x3F9C];
	s0 =	simm.s32 @p0 $0x1  }
0x13: {  	[smem:$0x3FB7] =	sst s0;
	s0 =	simm.s32 @!p1 $0x0  }
0x14: {  	s2 =	sld [smem:$0x3F9B];
	s0 =	simm.s32 @p1 $0x1  }
0x15: {  	[smem:$0x3FB8] =	sst s0;
	s0 =	simm.s32 @!p2 $0x0  }
0x16: {  	s3 =	sld [smem:$0x3FDB];
	s0 =	simm.s32 @p2 $0x1  }
0x17: {  	s4 =	simm.s32 $0x1BF5;
	[smem:$0x3FBA] =	sst s0  }
0x18: {  	s0 =	sld [smem:$0x3F9D];
	_ =	swait.ge [sflag:s4], $0x0  }
0x19: {  	s7 =	sld [smem:$0x3F9E]  }
0x1a: {  	s8 =	sadd.s32 $0xFFFFE003, lr  }
0x1b: {  	s9 =	sadd.s32 $0xFFFFFEF7, lr;
	s5 =	simm.s32 $0xFFFFFFFF;
	p2 =	slt.u32 s8, $0xFFFFF086  }
0x1c: {  	p1 =	slt.u32 s9, $0xF7A;
	s5 =	simm.s32 @!p2 $0x0  }
0x1d: {  	s5 =	simm.s32 @p1 $0x1;
	p0 =	seq.s32 s7, s2  }
0x1e: {  	s7 =	smul.u32 @!p0 $0xF7A, s2;
	p2 =	seq.s32 @!p0 s5, $0x0  }
0x1f: {  	s9 =	smul.u32 $0xF7A, s1;
	s8 =	simm.s32 @!p0 $0x1BF5;
	p2 =	por !p2, p0  }
0x20: {  	[sflag:s8] =	ssyncset.s32 @!p0 $0xFFFFF086;
	s6 =	sadd.s32 @!p0 s3, s7;
	s7 =	simm.s32 @!p0 $0x108  }
0x21: {  	s3 =	sadd.s32 s3, s9;
	s6 =	sadd.s32 @!p0 $0x88, s6;
	s7 =	simm.s32 @p2 $0x1082  }
0x22: {  	[simem:s7], [sflag:s8] =	dma.local @!p0 [hbm:s6], $0xF7A  }
0x23: {  	s9 =	sor.u32 $0xD0000000, s2;
	s6 =	simm.s32 $0x108;
	_ =	swait.ge @!p0 [sflag:s8], $0x0  }
0x24: {  	s3 =	sadd.s32 $0x88, s3;
	s6 =	simm.s32 @!p1 $0x1082;
	[sflag:s4] =	ssyncset.s32 $0xFFFFF086  }
0x25: {  	[simem:s6], [sflag:s4] =	dma.local [hbm:s3], $0xF7A  }
0x26: {  	[smem:$0x3F9E] =	sst s1;
	(tag) =	ssettag s2;
	_ =	strace s9  }
0x27: {  	s1 =	sld [smem:$0x3FAE]  }
0x28: {  	s2 =	sld [smem:$0x3FAF]  }
0x29: {  	s4 =	sld [smem:$0x3FB1]  }
0x2a: {  	p0 =	seq.s32 s5, $0x0;
	s5 =	sld [smem:$0x3FB2]  }
0x2b: {  	s6 =	sld [smem:$0x3FB3]  }
0x2c: {  	s7 =	sld [smem:$0x3FB4]  }
0x2d: {  	s3 =	simm.s32 $0x108;
	s8 =	sld [smem:$0x3FB5]  }
0x2e: {  	s3 =	simm.s32 @!p0 $0x1082;
	s9 =	sld [smem:$0x3FB6]  }
0x2f: {  	lr =	sadd.s32 s0, s3;
	s0 =	sld [smem:$0x3FAD]  }
0x30: {  	s3 =	sld [smem:$0x3FB0]  }
0x31: {  	[smem:$0x3FB9] =	sst s10  }
0x32: {  	s10 =	sld [smem:$0x3FB7];
	_ =	sdelay $0x3  }
0x33: {  	p0 =	seq.s32 s10, $0x1;
	s10 =	sld [smem:$0x3FB9];
	_ =	sdelay $0x3  }
0x34: {  	[smem:$0x3FB9] =	sst s10  }
0x35: {  	s10 =	sld [smem:$0x3FB8];
	_ =	sdelay $0x3  }
0x36: {  	p1 =	seq.s32 s10, $0x1;
	s10 =	sld [smem:$0x3FB9];
	_ =	sdelay $0x3  }
0x37: {  	[smem:$0x3FB9] =	sst s10  }
0x38: {  	s10 =	sld [smem:$0x3FBA]  }
0x39: {  	_ = 	snop;
	(pc) =	sbr.ind lr, $3  }
0x3a: {  	_ = 	snop  }
0x3b: {  	_ = 	snop  }
0x3c: {  	p2 =	seq.s32 s10, $0x1;
	s10 =	sld [smem:$0x3FB9]  }
0x3d: {  	_ =	shalt  }
0x3e: {  	_ =	shalt  }
0x3f: {  	_ =	shalt  }
0x40: {  	_ =	shalt  }
0x41: {  	_ =	shalt  }
0x42: {  	_ =	shalt  }
0x43: {  	_ =	shalt  }
0x44: {  	_ =	shalt  }
0x45: {  	_ =	shalt  }
0x46: {  	_ =	shalt  }
0x47: {  	_ =	shalt  }
0x48: {  	_ =	shalt  }
0x49: {  	_ =	shalt  }
0x4a: {  	_ =	shalt  }
0x4b: {  	_ =	shalt  }
0x4c: {  	_ =	shalt  }
0x4d: {  	_ =	shalt  }
0x4e: {  	_ =	shalt  }
0x4f: {  	_ =	shalt  }
0x50: {  	_ =	shalt  }
0x51: {  	_ =	shalt  }
0x52: {  	_ =	shalt  }
0x53: {  	_ =	shalt  }
0x54: {  	_ =	shalt  }
0x55: {  	_ =	shalt  }
0x56: {  	_ =	shalt  }
0x57: {  	_ =	shalt  }
0x58: {  	_ =	shalt  }
0x59: {  	_ =	shalt  }
0x5a: {  	_ =	shalt  }
0x5b: {  	_ =	shalt  }
0x5c: {  	_ =	shalt  }
0x5d: {  	_ =	shalt  }
0x5e: {  	_ =	shalt  }
0x5f: {  	_ =	shalt  }
0x60: {  	_ =	shalt  }
0x61: {  	_ =	shalt  }
0x62: {  	_ =	shalt  }
0x63: {  	_ =	shalt  }
0x64: {  	_ =	shalt  }
0x65: {  	_ =	shalt  }
0x66: {  	_ =	shalt  }
0x67: {  	_ =	shalt  }
0x68: {  	_ =	shalt  }
0x69: {  	_ =	shalt  }
0x6a: {  	_ =	shalt  }
0x6b: {  	_ =	shalt  }
0x6c: {  	_ =	shalt  }
0x6d: {  	_ =	shalt  }
0x6e: {  	_ =	shalt  }
0x6f: {  	_ =	shalt  }
0x70: {  	_ =	shalt  }
0x71: {  	_ =	shalt  }
0x72: {  	_ =	shalt  }
0x73: {  	_ =	shalt  }
0x74: {  	_ =	shalt  }
0x75: {  	_ =	shalt  }
0x76: {  	_ =	shalt  }
0x77: {  	_ =	shalt  }
0x78: {  	_ =	shalt  }
0x79: {  	_ =	shalt  }
0x7a: {  	_ =	shalt  }
0x7b: {  	_ =	shalt  }
0x7c: {  	_ =	shalt  }
0x7d: {  	_ =	shalt  }
0x7e: {  	_ =	shalt  }
0x7f: {  	_ =	shalt  }
0x80: {  	_ =	shalt  }
0x81: {  	_ =	shalt  }
0x82: {  	_ =	shalt  }
0x83: {  	_ =	shalt  }
0x84: {  	_ =	shalt  }
0x85: {  	_ =	shalt  }
0x86: {  	_ =	shalt  }
0x87: {  	_ =	shalt  }
.Lfunc_end0:
.L_simem_size_0:
called_computation_lowered:
.L_overlay_start_0:
0x88: {  	s2 =	sld [smem:$0x3FD9]  }
0x89: {  	s3 =	sld [smem:$0x3FFE];
	_ =	sdelay $0x1  }
0x8a: {  	s1 =	srdreg.scid  }
0x8b: {  	s0 =	sand.u32 $0x1, s1  }
0x8c: {  	s14 =	sshll.u32 s0, $0xA;
	s2 =	sadd.s32 s3, s2  }
0x8d: {  	s2 =	sadd.s32 s2, s14  }
0x8e: {  	[smem:$0x3FC5] =	sst s2  }
0x8f: {  	_ = 	snop  }
0x90: {  	s2 =	sld [smem:$0x3FD0];
	_ =	sdelay $0x2  }
0x91: {  	s15 =	simm.s32 $0xA;
	s4 =	simm.s32 $0x10  }
0x92: {  	[smem:s4], [sflag:s15] =	dma.local [hbm:s2], $0x1  }
0x93: {  	_ =	swait.eq [sflag:s15], $0x1  }
0x94: {  	[sflag:s15] =	ssyncset.done $0x0  }
0x95: {  	[sflag:s15] =	ssyncadd.s32 $0xFFFFFFFF  }
0x96: {  	s16 =	sld [smem:$0x12];
	(tm) =	ssettm $0x1  }
0x97: {  	s17 =	sld [smem:$0x3FFB];
	_ =	sdelay $0x3  }
0x98: {  	_ =	strace s17  }
0x99: {  	s3 =	sld [smem:$0x3FFC];
	_ =	sdelay $0x3  }
0x9a: {  	_ =	strace s3  }
0x9b: {  	s3 =	sld [smem:$0x3FFD];
	_ =	sdelay $0x3  }
0x9c: {  	_ =	strace s3  }
0x9d: {  	_ =	strace $0x8FFFFFFF  }
0x9e: {  	s18 =	sld [smem:$0x3FDB];
	_ =	sdelay $0x1  }
0x9f: {  	s19 =	simm.s32 $_scs_section_size  }
0xa0: {  	s5 =	simm.s32 $_size__tile_overlayer_lowered;
	s6 =	simm.s32 $_tile_overlayer_lowered  }
0xa1: {  	s22 =	simm.s32 $0x1BFF;
	s21 =	sshll.u32 s6, $0x1;
	s3 =	sadd.s32 s19, s18  }
0xa2: {  	s7 =	simm.s32 $0x0;
	s20 =	sshll.u32 s5, $0x1;
	s5 =	sadd.s32 s21, s3  }
0xa3: {  	[timem:s7], [sflag:s22] =	dma.local [hbm:s5], s20  }
0xa4: {  	_ =	swait.ge [sflag:s22], s20  }
0xa5: {  	s4 =	ssub.s32 $0x0, s20;
	[sflag:s22] =	ssyncset.done $0x0  }
0xa6: {  	[sflag:s22] =	ssyncadd.s32 s4;
	_ =	sdelay $0x1  }
0xa7: {  	s23 =	simm.s32 $0x1B8B  }
0xa8: {  	_ =	swait.ge [sflag:s23], $0x1  }
0xa9: {  	[sflag:s23] =	ssyncset.done $0x0  }
0xaa: {  	s25 =	simm.s32 $0x1B8E;
	s24 =	sld [smem:$0x3FFE];
	[sflag:s23] =	ssyncadd.s32 $0xFFFFFFFF  }
0xab: {  	s26 =	simm.s32 $execute0_lowered;
	[smem:$0x3FD2] =	sst s25  }
0xac: {  	s5 =	sshll.u32 s26, $0x1;
	_ =	strace $0x80000046;
	[dreg:$0x1] =	wrdreg $0xFFFFFFFF  }
0xad: {  	s28 =	simm.s32 $_size_execute0_lowered;
	s3 =	sadd.s32 s3, s5;
	[dreg:$0x0] =	wrdreg $0x0  }
0xae: {  	s5 =	sshll.u32 s28, $0x1;
	[dreg:$0x2] =	wrdreg s3  }
0xaf: {  	[dreg:$0x3] =	wrdreg s5  }
0xb0: {  	[dreg:$0x4] =	wrdreg $0xC0  }
0xb1: {  	_ =	task [dreg:s7], $0x5FFFF  }
0xb2: {  	[dreg:$0x1] =	wrdreg $0xFFFFFFFF  }
0xb3: {  	[dreg:$0x0] =	wrdreg $0x60  }
0xb4: {  	[dreg:$0x2] =	wrdreg s24  }
0xb5: {  	[dreg:$0x3] =	wrdreg s16  }
0xb6: {  	[dreg:$0x4] =	wrdreg $0x0  }
0xb7: {  	[dreg:$0x5] =	wrdreg $0x9  }
0xb8: {  	_ =	task.clear_ibuf [dreg:s7], $0x6FFFF;
	_ =	strace $0x90000046  }
0xb9: {  	s29 =	simm.s32 $0x9;
	_ =	strace $0x80000048  }
0xba: {  	_ =	swait.ge [sflag:s29], $0x1  }
0xbb: {  	[sflag:s29] =	ssyncadd.s32 $0xFFFFFFFF  }
0xbc: {  	_ =	strace $0x90000048  }
0xbd: {  	_ =	sfence  }
0xbe: {  	s30 =	sld [smem:$0x0];
	_ =	sdelay $0x2  }
0xbf: {  	s31 =	sshll.u32 s1, $0xD;
	s1 =	sshrl.u32 s1, $0x2  }
0xc0: {  	s3 =	sand.u32 $0x4000, s31;
	s1 =	sadd.s32 s1, s30  }
0xc1: {  	s0 =	sor.u32 s3, s0;
	s1 =	sshll.u32 s1, $0x11  }
0xc2: {  	s0 =	sor.u32 s1, s0  }
0xc3: {  	s0 =	sadd.s32 $0x8F2B, s0  }
0xc4: {  	[sflag:s0] =	ssyncadd.remote.s32 $0x1  }
0xc5: {  	_ =	sfence.sel $0xFFFF  }
0xc6: {  	[dreg:$0x0] =	wrdreg $0xFFFFFFFF;
	(pc) =	sbr.abs _section_cstart, $3  }
0xc7: {  	[dreg:$0x1] =	wrdreg $0xFFFFFFFF  }
0xc8: {  	_ =	task.clear_ibuf [dreg:s7], $0x2FFFF;
	_ =	strace $0x9FFFFFFF  }
0xc9: {  	(tm) =	ssettm $0x7FFFFFFF  }
tec
execute0_lowered:
.L_overlay_start_1:
0x0: {  	(tag) =	ssettag $0x1  }
0x1: {  	s4 =	rddreg [dreg:$0x0]  }
0x2: {  	s5 =	rddreg [dreg:$0x1]  }
0x3: {  	s2 =	rddreg [dreg:$0x2]  }
0x4: {  	s0 =	rddreg [dreg:$0x3];
	s1 =	stileid.u32  }
0x5: {  	s6 =	srdreg.scid;
	s3 =	simm.s32 $0x0;
	s7 =	smul.u32 $0xC80, s1  }
0x6: {  	s12 =	simm.s32 $0x80;
	s6 =	sand.u32 $0x1, s6;
	s11 =	smul.u32 $0xC40, s1  }
0x7: {  	s13 =	simm.s32 $0xD00;
	s14 =	simm.s32 $0x0;
	s8 =	smul.u32 $0xC800, s6  }
0x8: {  	[smem:$0x7FF] =	sst s3;
	s9 =	smul.u32 $0xC400, s6;
	s6 =	ssub.s32 $0x2, s6  }
0x9: {  	_ =	strace $0x80000047;
	s10 =	sshrl.u32 s6, $0x1;
	s8 =	sadd.s32 s7, s8  }
0xa: {  	s9 =	sadd.s32 s9, s4;
	s6 =	ssub.s32 s6, s10;
	s4 =	sadd.s32 s7, s2  }
0xb: {  	s10 =	simm.s32 $0x1;
	s8 =	sshrl.u32 s8, $0x3;
	s31 =	sadd.s32 s11, s9  }
0xc: {  	s6 =	smax.u32 s6, $0x1;
	s9 =	simm.s32 $0xD80;
	s11 =	simm.s32 $0xC80  }
0xd: {  	v0 =	vimm.f32 $0.0e+00;
	v1 =	vimm.f32 $1.000000000e+00;
	s5 =	sadd.s32 s5, s8;
	s7 =	sadd.s32 $0x1BE00, s31;
	s8 =	sadd.s32 $0x3600, s31  }
.LBB2_1:
0xe: {  	s15 =	simm.s32 $0x40;
	s16 =	simm.s32 $0x0  }
.LBB2_2:
0xf: {  	p0 =	sne.s32 s15, $0x31C0;
	[tilespmem:s16+$0xD80] =	vst v0;
	s16 =	smov.u32 s15;
	s15 =	sadd.s32 $0x40, s15  }
.Ltmp0:
0x10: {  	(pc) =	sbr.rel @p0 .LBB2_2-.Ltmp0, $2  }
0x11: {  	_ =	sdelay $0x2  }
0x12: {  	s16 =	sshra.s32 s16, $0x2  }
0x13: {  	[tilespmem:s16+$0xD80] =	vst v0  }
0x14: {  	[spmem:s4] =	stream.linear.scatter [tilespmem:s9], [sflag:$0x1], $0xC80, $0x38;
	[tilespmem:$0x1A00] =	vst v63  }
0x15: {  	_ =	swait.ge [sflag:s10], $0xC80  }
0x16: {  	[sflag:s10] =	ssyncset.done $0x0  }
0x17: {  	[sflag:s10] =	ssyncadd.s32 $0xFFFFF380  }
0x18: {  	[tilespmem:$0xD00] =	vst v1  }
0x19: {  	[tilespmem:$0xD10] =	vst v1  }
0x1a: {  	[tilespmem:$0xD20] =	vst v1  }
0x1b: {  	[tilespmem:$0xD30] =	vst v1  }
0x1c: {  	[tilespmem:$0xD40] =	vst v1  }
0x1d: {  	[tilespmem:$0xD50] =	vst v1  }
0x1e: {  	[tilespmem:$0xD60] =	vst v1  }
0x1f: {  	[tilespmem:$0xD70] =	vst v1  }
0x20: {  	s15 =	sadd.s32 $0x0, s7;
	[bflag:$0x0] =	sbarrier.arrive $0xFFFF  }
0x21: {  	[tilespmem:s11], [sflag:$0x1] =	stream.linear.gather [hbm4b:s15+s3], $0x80, $0x38;
	[tilespmem:$0x1A00] =	vst v63  }
0x22: {  	_ =	swait.ge [sflag:s10], $0x80  }
0x23: {  	[sflag:s10] =	ssyncset.done $0x0  }
0x24: {  	[sflag:s10] =	ssyncadd.s32 $0xFFFFFF80  }
0x25: {  	[spmem:s2] =	stream.indirect.scatter.add.f32 [tilespmem:s13], [sflag:$0x1], $0x1, s11, s12, $0xb8;
	[tilespmem:$0x1A00] =	vst v63  }
0x26: {  	_ =	swait.ge [sflag:s10], $0x80  }
0x27: {  	[sflag:s10] =	ssyncset.done $0x0  }
0x28: {  	s31 =	sadd.s32 $0x0, s8;
	[sflag:s10] =	ssyncadd.s32 $0xFFFFFF80  }
0x29: {  	[tilespmem:s11], [sflag:$0x1] =	stream.linear.gather [hbm4b:s31+s3], $0x80, $0x38;
	[tilespmem:$0x1A00] =	vst v63  }
0x2a: {  	_ =	swait.ge [sflag:s10], $0x80  }
0x2b: {  	[sflag:s10] =	ssyncset.done $0x0  }
0x2c: {  	[sflag:s10] =	ssyncadd.s32 $0xFFFFFF80  }
0x2d: {  	[spmem:s2] =	stream.indirect.scatter.add.f32 [tilespmem:s13], [sflag:$0x1], $0x1, s11, s12, $0xb8;
	[tilespmem:$0x1A00] =	vst v63  }
0x2e: {  	_ =	swait.ge [sflag:s10], $0x80  }
0x2f: {  	s16 =	simm.s32 $0x20;
	s15 =	simm.s32 $0x10;
	[sflag:s10] =	ssyncset.done $0x0  }
.LBB2_4:
0x30: {  	s17 =	sadd.s32 s15, s7  }
0x31: {  	[sflag:s10] =	ssyncadd.s32 $0xFFFFFF80;
	s18 =	smov.u32 s16;
	s19 =	sadd.s32 $0x10, s16  }
0x32: {  	[tilespmem:s11], [sflag:$0x1] =	stream.linear.gather [hbm4b:s17+s3], $0x80, $0x38;
	[tilespmem:$0x1A00] =	vst v63  }
0x33: {  	p0 =	sne.s32 s16, $0xC30;
	_ =	swait.ge [sflag:s10], $0x80  }
0x34: {  	[sflag:s10] =	ssyncset.done $0x0  }
0x35: {  	[sflag:s10] =	ssyncadd.s32 $0xFFFFFF80  }
0x36: {  	[spmem:s2] =	stream.indirect.scatter.add.f32 [tilespmem:s13], [sflag:$0x1], $0x1, s11, s12, $0xb8;
	[tilespmem:$0x1A00] =	vst v63  }
0x37: {  	_ =	swait.ge [sflag:s10], $0x80  }
0x38: {  	[sflag:s10] =	ssyncset.done $0x0  }
0x39: {  	s16 =	sadd.s32 s15, s8;
	s15 =	smov.u32 s18;
	[sflag:s10] =	ssyncadd.s32 $0xFFFFFF80  }
0x3a: {  	[tilespmem:s11], [sflag:$0x1] =	stream.linear.gather [hbm4b:s16+s3], $0x80, $0x38;
	[tilespmem:$0x1A00] =	vst v63  }
0x3b: {  	_ =	swait.ge [sflag:s10], $0x80  }
.Ltmp1:
0x3c: {  	[sflag:s10] =	ssyncset.done $0x0;
	(pc) =	sbr.rel @p0 .LBB2_4-.Ltmp1, $4  }
0x3d: {  	[sflag:s10] =	ssyncadd.s32 $0xFFFFFF80  }
0x3e: {  	[spmem:s2] =	stream.indirect.scatter.add.f32 [tilespmem:s13], [sflag:$0x1], $0x1, s11, s12, $0xb8;
	[tilespmem:$0x1A00] =	vst v63  }
0x3f: {  	_ =	swait.ge [sflag:s10], $0x80  }
0x40: {  	s16 =	smov.u32 s19;
	[sflag:s10] =	ssyncset.done $0x0  }
0x41: {  	s16 =	sadd.s32 s15, s7;
	[sflag:s10] =	ssyncadd.s32 $0xFFFFFF80  }
0x42: {  	[tilespmem:s11], [sflag:$0x1] =	stream.linear.gather [hbm4b:s16+s3], $0x80, $0x38;
	[tilespmem:$0x1A00] =	vst v63  }
0x43: {  	_ =	swait.ge [sflag:s10], $0x80  }
0x44: {  	[sflag:s10] =	ssyncset.done $0x0  }
0x45: {  	[sflag:s10] =	ssyncadd.s32 $0xFFFFFF80  }
0x46: {  	[spmem:s2] =	stream.indirect.scatter.add.f32 [tilespmem:s13], [sflag:$0x1], $0x1, s11, s12, $0xb8;
	[tilespmem:$0x1A00] =	vst v63  }
0x47: {  	_ =	swait.ge [sflag:s10], $0x80  }
0x48: {  	[sflag:s10] =	ssyncset.done $0x0  }
0x49: {  	s31 =	sadd.s32 s15, s8;
	[sflag:s10] =	ssyncadd.s32 $0xFFFFFF80  }
0x4a: {  	[tilespmem:s11], [sflag:$0x1] =	stream.linear.gather [hbm4b:s31+s3], $0x80, $0x38;
	[tilespmem:$0x1A00] =	vst v63  }
0x4b: {  	_ =	swait.ge [sflag:s10], $0x80  }
0x4c: {  	[sflag:s10] =	ssyncset.done $0x0  }
0x4d: {  	[sflag:s10] =	ssyncadd.s32 $0xFFFFFF80  }
0x4e: {  	[spmem:s2] =	stream.indirect.scatter.add.f32 [tilespmem:s13], [sflag:$0x1], $0x1, s11, s12, $0xb8;
	[tilespmem:$0x1A00] =	vst v63  }
0x4f: {  	_ =	swait.ge [sflag:s10], $0x80  }
0x50: {  	[sflag:s10] =	ssyncset.done $0x0  }
0x51: {  	[sflag:s10] =	ssyncadd.s32 $0xFFFFFF80  }
0x52: {  	[bflag:$0x0] =	sbarrier.arrive $0xFFFF  }
0x53: {  	[tilespmem:s9], [sflag:$0x1] =	stream.linear.gather [spmem:s4], $0xC80, $0x38;
	[tilespmem:$0x1A00] =	vst v63  }
0x54: {  	s14 =	sadd.s32 $0x1, s14;
	_ =	swait.ge [sflag:s10], $0xC80  }
0x55: {  	p0 =	sne.s32 s14, s6;
	[sflag:s10] =	ssyncset.done $0x0  }
.Ltmp2:
0x56: {  	[sflag:s10] =	ssyncadd.s32 $0xFFFFF380;
	(pc) =	sbr.rel @p0 .LBB2_1-.Ltmp2, $4  }
0x57: {  	[hbm4b:s5+s3] =	stream.linear.scatter [tilespmem:s9], [sflag:$0x1], $0xC80, $0x38;
	[tilespmem:$0x1A00] =	vst v63  }
0x58: {  	_ =	swait.ge [sflag:s10], $0xC80  }
0x59: {  	[sflag:s10] =	ssyncset.done $0x0  }
0x5a: {  	[sflag:s10] =	ssyncadd.s32 $0xFFFFF380  }
0x5b: {  	_ =	sfence.sel $0x180000  }
0x5c: {  	[bflag:$0x0] =	sbarrier.arrive $0xFFFF  }
0x5d: {  	p0 =	sne.s32 s1, $0x0;
	_ =	strace $0x90000047  }
0x5e: {  	s0 =	sadd.s32 @!p0 $0x100000, s0;
	[bflag:$0x2] =	sbarrier.arrive $0xFFFF  }
0x5f: {  	[sflag:s0] =	ssyncadd.tile.s32 @!p0 $0x1;
	_ =	shalt  }
.Lfunc_end2:
_tile_overlayer_lowered:
.L_overlay_start_2:
0x60: {  	(tag) =	ssettag $0x2  }
0x61: {  	s0 =	rddreg [dreg:$0x0];
	s2 =	stileid.u32  }
0x62: {  	s1 =	rddreg [dreg:$0x1];
	p0 =	sne.s32 s2, $0x0  }
0x63: {  	s3 =	rddreg [dreg:$0x2];
	[bflag:$0x3] =	sbarrier.arrive $0xFFFF;
	s2 =	simm.s32 @!p0 $0x1C01  }
0x64: {  	[timem:s3], [sflag:s2] =	dma.local @!p0 [hbm:s0], s1  }
0x65: {  	s0 =	simm.s32 @!p0 $0x1  }
0x66: {  	_ =	swait.ge @!p0 [sflag:s0], s1  }
0x67: {  	s1 =	ssub.s32 @!p0 $0x0, s1;
	[sflag:s0] =	ssyncset.done @!p0 $0x0  }
0x68: {  	[sflag:s0] =	ssyncadd.s32 @!p0 s1  }
0x69: {  	[bflag:$0x3] =	sbarrier.arrive $0xFFFF  }
0x6a: {  	_ =	shalt  }

// kernel: kernel.13.cloned.1.call-start
scs
__scs_entry_jumppad:
0x0: {  	(pc) =	sbr.rel $0x88, $3  }
0x1: {  	(tag) =	ssettag $0x0;
	lr =	simm.s32 $0x1  }
0x2: {  	[smem:$0x3F9E] =	sst lr;
	_ =	strace $0xD0000000  }
0x3: {  	_ = 	snop  }
0x4: {  	_ = 	snop  }
0x5: {  	_ = 	snop  }
0x6: {  	_ = 	snop  }
0x7: {  	_ = 	snop  }
__scs_overlays_trampoline_lowered:
0x8: {  	[smem:$0x3FAD] =	sst s0  }
0x9: {  	[smem:$0x3FAE] =	sst s1  }
0xa: {  	[smem:$0x3FAF] =	sst s2  }
0xb: {  	[smem:$0x3FB0] =	sst s3  }
0xc: {  	[smem:$0x3FB1] =	sst s4  }
0xd: {  	[smem:$0x3FB2] =	sst s5  }
0xe: {  	[smem:$0x3FB3] =	sst s6  }
0xf: {  	[smem:$0x3FB4] =	sst s7  }
0x10: {  	[smem:$0x3FB5] =	sst s8  }
0x11: {  	[smem:$0x3FB6] =	sst s9;
	s0 =	simm.s32 @!p0 $0x0  }
0x12: {  	s1 =	sld [smem:$0x3F9C];
	s0 =	simm.s32 @p0 $0x1  }
0x13: {  	[smem:$0x3FB7] =	sst s0;
	s0 =	simm.s32 @!p1 $0x0  }
0x14: {  	s2 =	sld [smem:$0x3F9B];
	s0 =	simm.s32 @p1 $0x1  }
0x15: {  	[smem:$0x3FB8] =	sst s0;
	s0 =	simm.s32 @!p2 $0x0  }
0x16: {  	s3 =	sld [smem:$0x3FDB];
	s0 =	simm.s32 @p2 $0x1  }
0x17: {  	s4 =	simm.s32 $0x1BF5;
	[smem:$0x3FBA] =	sst s0  }
0x18: {  	s0 =	sld [smem:$0x3F9D];
	_ =	swait.ge [sflag:s4], $0x0  }
0x19: {  	s7 =	sld [smem:$0x3F9E]  }
0x1a: {  	s8 =	sadd.s32 $0xFFFFE003, lr  }
0x1b: {  	s9 =	sadd.s32 $0xFFFFFEF7, lr;
	s5 =	simm.s32 $0xFFFFFFFF;
	p2 =	slt.u32 s8, $0xFFFFF086  }
0x1c: {  	p1 =	slt.u32 s9, $0xF7A;
	s5 =	simm.s32 @!p2 $0x0  }
0x1d: {  	s5 =	simm.s32 @p1 $0x1;
	p0 =	seq.s32 s7, s2  }
0x1e: {  	s7 =	smul.u32 @!p0 $0xF7A, s2;
	p2 =	seq.s32 @!p0 s5, $0x0  }
0x1f: {  	s9 =	smul.u32 $0xF7A, s1;
	s8 =	simm.s32 @!p0 $0x1BF5;
	p2 =	por !p2, p0  }
0x20: {  	[sflag:s8] =	ssyncset.s32 @!p0 $0xFFFFF086;
	s6 =	sadd.s32 @!p0 s3, s7;
	s7 =	simm.s32 @!p0 $0x108  }
0x21: {  	s3 =	sadd.s32 s3, s9;
	s6 =	sadd.s32 @!p0 $0x88, s6;
	s7 =	simm.s32 @p2 $0x1082  }
0x22: {  	[simem:s7], [sflag:s8] =	dma.local @!p0 [hbm:s6], $0xF7A  }
0x23: {  	s9 =	sor.u32 $0xD0000000, s2;
	s6 =	simm.s32 $0x108;
	_ =	swait.ge @!p0 [sflag:s8], $0x0  }
0x24: {  	s3 =	sadd.s32 $0x88, s3;
	s6 =	simm.s32 @!p1 $0x1082;
	[sflag:s4] =	ssyncset.s32 $0xFFFFF086  }
0x25: {  	[simem:s6], [sflag:s4] =	dma.local [hbm:s3], $0xF7A  }
0x26: {  	[smem:$0x3F9E] =	sst s1;
	(tag) =	ssettag s2;
	_ =	strace s9  }
0x27: {  	s1 =	sld [smem:$0x3FAE]  }
0x28: {  	s2 =	sld [smem:$0x3FAF]  }
0x29: {  	s4 =	sld [smem:$0x3FB1]  }
0x2a: {  	p0 =	seq.s32 s5, $0x0;
	s5 =	sld [smem:$0x3FB2]  }
0x2b: {  	s6 =	sld [smem:$0x3FB3]  }
0x2c: {  	s7 =	sld [smem:$0x3FB4]  }
0x2d: {  	s3 =	simm.s32 $0x108;
	s8 =	sld [smem:$0x3FB5]  }
0x2e: {  	s3 =	simm.s32 @!p0 $0x1082;
	s9 =	sld [smem:$0x3FB6]  }
0x2f: {  	lr =	sadd.s32 s0, s3;
	s0 =	sld [smem:$0x3FAD]  }
0x30: {  	s3 =	sld [smem:$0x3FB0]  }
0x31: {  	[smem:$0x3FB9] =	sst s10  }
0x32: {  	s10 =	sld [smem:$0x3FB7];
	_ =	sdelay $0x3  }
0x33: {  	p0 =	seq.s32 s10, $0x1;
	s10 =	sld [smem:$0x3FB9];
	_ =	sdelay $0x3  }
0x34: {  	[smem:$0x3FB9] =	sst s10  }
0x35: {  	s10 =	sld [smem:$0x3FB8];
	_ =	sdelay $0x3  }
0x36: {  	p1 =	seq.s32 s10, $0x1;
	s10 =	sld [smem:$0x3FB9];
	_ =	sdelay $0x3  }
0x37: {  	[smem:$0x3FB9] =	sst s10  }
0x38: {  	s10 =	sld [smem:$0x3FBA]  }
0x39: {  	_ = 	snop;
	(pc) =	sbr.ind lr, $3  }
0x3a: {  	_ = 	snop  }
0x3b: {  	_ = 	snop  }
0x3c: {  	p2 =	seq.s32 s10, $0x1;
	s10 =	sld [smem:$0x3FB9]  }
0x3d: {  	_ =	shalt  }
0x3e: {  	_ =	shalt  }
0x3f: {  	_ =	shalt  }
0x40: {  	_ =	shalt  }
0x41: {  	_ =	shalt  }
0x42: {  	_ =	shalt  }
0x43: {  	_ =	shalt  }
0x44: {  	_ =	shalt  }
0x45: {  	_ =	shalt  }
0x46: {  	_ =	shalt  }
0x47: {  	_ =	shalt  }
0x48: {  	_ =	shalt  }
0x49: {  	_ =	shalt  }
0x4a: {  	_ =	shalt  }
0x4b: {  	_ =	shalt  }
0x4c: {  	_ =	shalt  }
0x4d: {  	_ =	shalt  }
0x4e: {  	_ =	shalt  }
0x4f: {  	_ =	shalt  }
0x50: {  	_ =	shalt  }
0x51: {  	_ =	shalt  }
0x52: {  	_ =	shalt  }
0x53: {  	_ =	shalt  }
0x54: {  	_ =	shalt  }
0x55: {  	_ =	shalt  }
0x56: {  	_ =	shalt  }
0x57: {  	_ =	shalt  }
0x58: {  	_ =	shalt  }
0x59: {  	_ =	shalt  }
0x5a: {  	_ =	shalt  }
0x5b: {  	_ =	shalt  }
0x5c: {  	_ =	shalt  }
0x5d: {  	_ =	shalt  }
0x5e: {  	_ =	shalt  }
0x5f: {  	_ =	shalt  }
0x60: {  	_ =	shalt  }
0x61: {  	_ =	shalt  }
0x62: {  	_ =	shalt  }
0x63: {  	_ =	shalt  }
0x64: {  	_ =	shalt  }
0x65: {  	_ =	shalt  }
0x66: {  	_ =	shalt  }
0x67: {  	_ =	shalt  }
0x68: {  	_ =	shalt  }
0x69: {  	_ =	shalt  }
0x6a: {  	_ =	shalt  }
0x6b: {  	_ =	shalt  }
0x6c: {  	_ =	shalt  }
0x6d: {  	_ =	shalt  }
0x6e: {  	_ =	shalt  }
0x6f: {  	_ =	shalt  }
0x70: {  	_ =	shalt  }
0x71: {  	_ =	shalt  }
0x72: {  	_ =	shalt  }
0x73: {  	_ =	shalt  }
0x74: {  	_ =	shalt  }
0x75: {  	_ =	shalt  }
0x76: {  	_ =	shalt  }
0x77: {  	_ =	shalt  }
0x78: {  	_ =	shalt  }
0x79: {  	_ =	shalt  }
0x7a: {  	_ =	shalt  }
0x7b: {  	_ =	shalt  }
0x7c: {  	_ =	shalt  }
0x7d: {  	_ =	shalt  }
0x7e: {  	_ =	shalt  }
0x7f: {  	_ =	shalt  }
0x80: {  	_ =	shalt  }
0x81: {  	_ =	shalt  }
0x82: {  	_ =	shalt  }
0x83: {  	_ =	shalt  }
0x84: {  	_ =	shalt  }
0x85: {  	_ =	shalt  }
0x86: {  	_ =	shalt  }
0x87: {  	_ =	shalt  }
.Lfunc_end0:
.L_simem_size_0:
called_computation.1_lowered:
.L_overlay_start_0:
0x88: {  	s2 =	sld [smem:$0x3FD9]  }
0x89: {  	s3 =	sld [smem:$0x3FFE];
	_ =	sdelay $0x1  }
0x8a: {  	s1 =	srdreg.scid  }
0x8b: {  	s0 =	sand.u32 $0x1, s1  }
0x8c: {  	s14 =	sshll.u32 s0, $0xA;
	s2 =	sadd.s32 s3, s2  }
0x8d: {  	s2 =	sadd.s32 s2, s14  }
0x8e: {  	[smem:$0x3FC5] =	sst s2  }
0x8f: {  	_ = 	snop  }
0x90: {  	s2 =	sld [smem:$0x3FD0];
	_ =	sdelay $0x2  }
0x91: {  	s15 =	simm.s32 $0xA;
	s4 =	simm.s32 $0x10  }
0x92: {  	[smem:s4], [sflag:s15] =	dma.local [hbm:s2], $0x1  }
0x93: {  	_ =	swait.eq [sflag:s15], $0x1  }
0x94: {  	[sflag:s15] =	ssyncset.done $0x0  }
0x95: {  	s16 =	sld [smem:$0x11];
	[sflag:s15] =	ssyncadd.s32 $0xFFFFFFFF  }
0x96: {  	s17 =	sld [smem:$0x13];
	(tm) =	ssettm $0x1  }
0x97: {  	s18 =	sld [smem:$0x3FFB];
	_ =	sdelay $0x3  }
0x98: {  	_ =	strace s18  }
0x99: {  	s4 =	sld [smem:$0x3FFC];
	_ =	sdelay $0x3  }
0x9a: {  	_ =	strace s4  }
0x9b: {  	s4 =	sld [smem:$0x3FFD];
	_ =	sdelay $0x3  }
0x9c: {  	_ =	strace s4  }
0x9d: {  	_ =	strace $0x8FFFFFFF  }
0x9e: {  	s19 =	sld [smem:$0x3FDB];
	_ =	sdelay $0x1  }
0x9f: {  	s5 =	simm.s32 $_scs_section_size  }
0xa0: {  	s6 =	simm.s32 $_size__tile_overlayer_lowered;
	s7 =	simm.s32 $_tile_overlayer_lowered  }
0xa1: {  	s22 =	simm.s32 $0x1BFF;
	s21 =	sshll.u32 s7, $0x1;
	s4 =	sadd.s32 s5, s19  }
0xa2: {  	s8 =	simm.s32 $0x0;
	s20 =	sshll.u32 s6, $0x1;
	s6 =	sadd.s32 s21, s4  }
0xa3: {  	[timem:s8], [sflag:s22] =	dma.local [hbm:s6], s20  }
0xa4: {  	_ =	swait.ge [sflag:s22], s20  }
0xa5: {  	s5 =	ssub.s32 $0x0, s20;
	[sflag:s22] =	ssyncset.done $0x0  }
0xa6: {  	[sflag:s22] =	ssyncadd.s32 s5;
	_ =	sdelay $0x1  }
0xa7: {  	s23 =	simm.s32 $0x1B8B  }
0xa8: {  	_ =	swait.ge [sflag:s23], $0x1  }
0xa9: {  	[sflag:s23] =	ssyncset.done $0x0  }
0xaa: {  	s25 =	simm.s32 $0x1B8E;
	s24 =	sld [smem:$0x3FFE];
	[sflag:s23] =	ssyncadd.s32 $0xFFFFFFFF  }
0xab: {  	s26 =	simm.s32 $execute0_lowered;
	[smem:$0x3FD2] =	sst s25  }
0xac: {  	s6 =	sshll.u32 s26, $0x1;
	_ =	strace $0x80000049;
	[dreg:$0x1] =	wrdreg $0xFFFFFFFF  }
0xad: {  	s28 =	simm.s32 $_size_execute0_lowered;
	s4 =	sadd.s32 s4, s6;
	[dreg:$0x0] =	wrdreg $0x0  }
0xae: {  	s6 =	sshll.u32 s28, $0x1;
	[dreg:$0x2] =	wrdreg s4  }
0xaf: {  	[dreg:$0x3] =	wrdreg s6  }
0xb0: {  	[dreg:$0x4] =	wrdreg $0xC0  }
0xb1: {  	_ =	task [dreg:s8], $0x5FFFF  }
0xb2: {  	[dreg:$0x1] =	wrdreg $0xFFFFFFFF  }
0xb3: {  	[dreg:$0x0] =	wrdreg $0x60  }
0xb4: {  	[dreg:$0x2] =	wrdreg s24  }
0xb5: {  	[dreg:$0x3] =	wrdreg s16  }
0xb6: {  	[dreg:$0x4] =	wrdreg s17  }
0xb7: {  	[dreg:$0x5] =	wrdreg $0x0  }
0xb8: {  	[dreg:$0x6] =	wrdreg $0x9  }
0xb9: {  	_ =	task.clear_ibuf [dreg:s8], $0x7FFFF;
	_ =	strace $0x90000049  }
0xba: {  	s29 =	simm.s32 $0x9;
	_ =	strace $0x8000004B  }
0xbb: {  	_ =	swait.ge [sflag:s29], $0x1  }
0xbc: {  	[sflag:s29] =	ssyncadd.s32 $0xFFFFFFFF  }
0xbd: {  	_ =	strace $0x9000004B  }
0xbe: {  	_ =	sfence  }
0xbf: {  	s30 =	sld [smem:$0x0];
	_ =	sdelay $0x2  }
0xc0: {  	s31 =	sshll.u32 s1, $0xD;
	s1 =	sshrl.u32 s1, $0x2  }
0xc1: {  	s3 =	sand.u32 $0x4000, s31;
	s1 =	sadd.s32 s1, s30  }
0xc2: {  	s0 =	sor.u32 s3, s0;
	s1 =	sshll.u32 s1, $0x11  }
0xc3: {  	s0 =	sor.u32 s1, s0  }
0xc4: {  	s0 =	sadd.s32 $0x8F2B, s0  }
0xc5: {  	[sflag:s0] =	ssyncadd.remote.s32 $0x1  }
0xc6: {  	_ =	sfence.sel $0xFFFF  }
0xc7: {  	[dreg:$0x0] =	wrdreg $0xFFFFFFFF;
	(pc) =	sbr.abs _section_cstart, $3  }
0xc8: {  	[dreg:$0x1] =	wrdreg $0xFFFFFFFF  }
0xc9: {  	_ =	task.clear_ibuf [dreg:s8], $0x2FFFF;
	_ =	strace $0x9FFFFFFF  }
0xca: {  	(tm) =	ssettm $0x7FFFFFFF  }
0xcb: {  	_ =	shalt  }
tec
execute0_lowered:
.L_overlay_start_1:
0x0: {  	(tag) =	ssettag $0x1  }
0x1: {  	s5 =	rddreg [dreg:$0x0]  }
0x2: {  	s7 =	rddreg [dreg:$0x1]  }
0x3: {  	s8 =	rddreg [dreg:$0x2]  }
0x4: {  	s1 =	rddreg [dreg:$0x3];
	s2 =	srdreg.scid  }
0x5: {  	s0 =	rddreg [dreg:$0x4];
	s6 =	sand.u32 $0x1, s2  }
0x6: {  	s2 =	stileid.u32;
	s9 =	smul.u32 $0x32000, s6  }
0x7: {  	s3 =	simm.s32 $0x0;
	s15 =	simm.s32 $0x19080;
	s10 =	smul.u32 $0x64000, s2  }
0x8: {  	s16 =	simm.s32 $0x0;
	[smem:$0x7FF] =	sst s3;
	s12 =	smul.u32 $0x1880, s2  }
0x9: {  	s4 =	sadd.s32 $0x1C4600, s5;
	s11 =	ssub.s32 $0x2, s6;
	s14 =	smul.u32 $0x18800, s6  }
0xa: {  	_ =	strace $0x8000004A;
	s31 =	smul.u32 $0x3200, s2;
	s13 =	sshrl.u32 s11, $0x1  }
0xb: {  	s30 =	ssub.s32 s11, s13;
	s10 =	sshrl.u32 s10, $0x2;
	s9 =	sadd.s32 s9, s5  }
0xc: {  	s7 =	sadd.s32 s12, s7;
	s8 =	sadd.s32 s14, s8;
	s11 =	simm.s32 $0x2  }
0xd: {  	s13 =	simm.s32 $0x80;
	s14 =	simm.s32 $0x1;
	s5 =	sadd.s32 s10, s1  }
0xe: {  	s6 =	smax.u32 s30, $0x1;
	s9 =	sadd.s32 s31, s9;
	s8 =	sadd.s32 s12, s8  }
0xf: {  	v0 =	vimm.f32 $0.0e+00;
	s10 =	simm.s32 $0x19100;
	s12 =	simm.s32 $0x19000;
	s9 =	sadd.s32 $0x228600, s9  }
.LBB2_1:
0x10: {  	s17 =	simm.s32 $0x0  }
.LBB2_2:
0x11: {  	p0 =	sne.s32 s17, $0x3F80  }
.Ltmp0:
0x12: {  	_ = 	snop;
	(pc) =	sbr.rel @p0 .LBB2_2-.Ltmp0, $4  }
0x13: {  	_ = 	snop  }
0x14: {  	s18 =	sshra.s32 s17, $0x2  }
0x15: {  	[tilespmem:s18+$0x19100] =	vst v0  }
0x16: {  	s17 =	sadd.s32 $0x80, s17;
	[tilespmem:s18+$0x19110] =	vst v0  }
0x17: {  	s17 =	sadd.s32 $0x0, s5  }
0x18: {  	[spmem:s17] =	stream.linear.scatter [tilespmem:s10], [sflag:$0x2], $0x1000, $0x38;
	[tilespmem:$0x1A100] =	vst v63  }
0x19: {  	s17 =	simm.s32 $0x4000;
	_ =	swait.ge [sflag:s11], $0x1000  }
.LBB2_4:
0x1a: {  	s18 =	sshra.s32 s17, $0x2;
	[sflag:s11] =	ssyncset.done $0x0;
	p0 =	sne.s32 s17, $0x60000  }
.Ltmp1:
0x1b: {  	s18 =	sadd.s32 s18, s5;
	[sflag:s11] =	ssyncadd.s32 $0xFFFFF000;
	(pc) =	sbr.rel @p0 .LBB2_4-.Ltmp1, $3  }
0x1c: {  	[spmem:s18] =	stream.linear.scatter [tilespmem:s10], [sflag:$0x2], $0x1000, $0x38;
	[tilespmem:$0x1A100] =	vst v63  }
0x1d: {  	s17 =	sadd.s32 $0x4000, s17;
	_ =	sdelay $0x1  }
0x1e: {  	_ =	swait.ge [sflag:s11], $0x1000  }
0x1f: {  	[sflag:s11] =	ssyncset.done $0x0  }
0x20: {  	[sflag:s11] =	ssyncadd.s32 $0xFFFFF000  }
0x21: {  	s17 =	sadd.s32 $0x0, s8;
	[bflag:$0x0] =	sbarrier.arrive $0xFFFF  }
0x22: {  	[tilespmem:s12], [sflag:$0x2] =	stream.linear.gather [hbm4b:s17+s3], $0x80, $0x38;
	[tilespmem:$0x1A100] =	vst v63  }
0x23: {  	_ =	swait.ge [sflag:s11], $0x80  }
0x24: {  	[sflag:s11] =	ssyncset.done $0x0  }
0x25: {  	[sflag:s11] =	ssyncadd.s32 $0xFFFFFF80  }
0x26: {  	[tilespmem:s10], [sflag:$0x1] =	stream.indirect.gather [hbm4b:s4+s13], $0x20, s12, s13, $0xb8;
	[tilespmem:$0x1A100] =	vst v63  }
0x27: {  	_ =	swait.ge [sflag:s14], $0x1000  }
0x28: {  	[sflag:s14] =	ssyncset.done $0x0  }
0x29: {  	s31 =	sadd.s32 $0x0, s7;
	[sflag:s14] =	ssyncadd.s32 $0xFFFFF000  }
0x2a: {  	[tilespmem:s15], [sflag:$0x2] =	stream.linear.gather [hbm4b:s31+s3], $0x80, $0x38;
	[tilespmem:$0x1A100] =	vst v63  }
0x2b: {  	_ =	swait.ge [sflag:s11], $0x80  }
0x2c: {  	[sflag:s11] =	ssyncset.done $0x0  }
0x2d: {  	[sflag:s11] =	ssyncadd.s32 $0xFFFFFF80  }
0x2e: {  	[spmem:s1] =	stream.indirect.scatter.add.f32 [tilespmem:s10], [sflag:$0x2], $0x20, s15, s13, $0xb8;
	[tilespmem:$0x1A100] =	vst v63  }
0x2f: {  	_ =	swait.ge [sflag:s11], $0x1000  }
0x30: {  	s18 =	simm.s32 $0x20;
	s17 =	simm.s32 $0x10;
	[sflag:s11] =	ssyncset.done $0x0  }
.LBB2_6:
0x31: {  	s19 =	sadd.s32 s17, s8  }
0x32: {  	[sflag:s11] =	ssyncadd.s32 $0xFFFFF000;
	s20 =	smov.u32 s18;
	s21 =	sadd.s32 $0x10, s18  }
0x33: {  	[tilespmem:s12], [sflag:$0x2] =	stream.linear.gather [hbm4b:s19+s3], $0x80, $0x38;
	[tilespmem:$0x1A100] =	vst v63  }
0x34: {  	p0 =	sne.s32 s18, $0x1870;
	_ =	swait.ge [sflag:s11], $0x80  }
0x35: {  	[sflag:s11] =	ssyncset.done $0x0  }
0x36: {  	[sflag:s11] =	ssyncadd.s32 $0xFFFFFF80  }
0x37: {  	[tilespmem:s10], [sflag:$0x1] =	stream.indirect.gather [hbm4b:s4+s13], $0x20, s12, s13, $0xb8;
	[tilespmem:$0x1A100] =	vst v63  }
0x38: {  	_ =	swait.ge [sflag:s14], $0x1000  }
0x39: {  	[sflag:s14] =	ssyncset.done $0x0  }
0x3a: {  	s18 =	sadd.s32 s17, s7;
	s17 =	smov.u32 s20;
	[sflag:s14] =	ssyncadd.s32 $0xFFFFF000  }
0x3b: {  	[tilespmem:s15], [sflag:$0x2] =	stream.linear.gather [hbm4b:s18+s3], $0x80, $0x38;
	[tilespmem:$0x1A100] =	vst v63  }
0x3c: {  	_ =	swait.ge [sflag:s11], $0x80  }
.Ltmp2:
0x3d: {  	[sflag:s11] =	ssyncset.done $0x0;
	(pc) =	sbr.rel @p0 .LBB2_6-.Ltmp2, $4  }
0x3e: {  	[sflag:s11] =	ssyncadd.s32 $0xFFFFFF80  }
0x3f: {  	[spmem:s1] =	stream.indirect.scatter.add.f32 [tilespmem:s10], [sflag:$0x2], $0x20, s15, s13, $0xb8;
	[tilespmem:$0x1A100] =	vst v63  }
0x40: {  	_ =	swait.ge [sflag:s11], $0x1000  }
0x41: {  	s18 =	smov.u32 s21;
	[sflag:s11] =	ssyncset.done $0x0  }
0x42: {  	s18 =	sadd.s32 s17, s8;
	[sflag:s11] =	ssyncadd.s32 $0xFFFFF000  }
0x43: {  	[tilespmem:s12], [sflag:$0x2] =	stream.linear.gather [hbm4b:s18+s3], $0x80, $0x38;
	[tilespmem:$0x1A100] =	vst v63  }
0x44: {  	_ =	swait.ge [sflag:s11], $0x80  }
0x45: {  	[sflag:s11] =	ssyncset.done $0x0  }
0x46: {  	[sflag:s11] =	ssyncadd.s32 $0xFFFFFF80  }
0x47: {  	[tilespmem:s10], [sflag:$0x1] =	stream.indirect.gather [hbm4b:s4+s13], $0x20, s12, s13, $0xb8;
	[tilespmem:$0x1A100] =	vst v63  }
0x48: {  	_ =	swait.ge [sflag:s14], $0x1000  }
0x49: {  	[sflag:s14] =	ssyncset.done $0x0  }
0x4a: {  	s30 =	sadd.s32 s17, s7;
	[sflag:s14] =	ssyncadd.s32 $0xFFFFF000  }
0x4b: {  	[tilespmem:s15], [sflag:$0x2] =	stream.linear.gather [hbm4b:s30+s3], $0x80, $0x38;
	[tilespmem:$0x1A100] =	vst v63  }
0x4c: {  	_ =	swait.ge [sflag:s11], $0x80  }
0x4d: {  	[sflag:s11] =	ssyncset.done $0x0  }
0x4e: {  	[sflag:s11] =	ssyncadd.s32 $0xFFFFFF80  }
0x4f: {  	[spmem:s1] =	stream.indirect.scatter.add.f32 [tilespmem:s10], [sflag:$0x2], $0x20, s15, s13, $0xb8;
	[tilespmem:$0x1A100] =	vst v63  }
0x50: {  	_ =	swait.ge [sflag:s11], $0x1000  }
0x51: {  	[sflag:s11] =	ssyncset.done $0x0  }
0x52: {  	[sflag:s11] =	ssyncadd.s32 $0xFFFFF000  }
0x53: {  	[bflag:$0x0] =	sbarrier.arrive $0xFFFF  }
0x54: {  	[tilespmem:s10], [sflag:$0x2] =	stream.linear.gather [spmem:s5], $0x1000, $0x38;
	[tilespmem:$0x1A100] =	vst v63  }
0x55: {  	_ =	swait.ge [sflag:s11], $0x1000  }
0x56: {  	[sflag:s11] =	ssyncset.done $0x0  }
0x57: {  	s31 =	sadd.s32 $0x0, s9;
	[sflag:s11] =	ssyncadd.s32 $0xFFFFF000  }
0x58: {  	[hbm4b:s31+s3] =	stream.linear.scatter [tilespmem:s10], [sflag:$0x2], $0x1000, $0x38;
	[tilespmem:$0x1A100] =	vst v63  }
0x59: {  	_ =	swait.ge [sflag:s11], $0x1000  }
0x5a: {  	s17 =	simm.s32 $0x200;
	s18 =	smov.u32 s5;
	[sflag:s11] =	ssyncset.done $0x0  }
.LBB2_8:
0x5b: {  	p0 =	sne.s32 s17, $0x3000;
	[sflag:s11] =	ssyncadd.s32 $0xFFFFF000;
	s18 =	sadd.s32 $0x1000, s18  }
0x5c: {  	[tilespmem:s10], [sflag:$0x2] =	stream.linear.gather [spmem:s18], $0x1000, $0x38;
	[tilespmem:$0x1A100] =	vst v63  }
0x5d: {  	s19 =	smov.u32 s17;
	s17 =	sadd.s32 $0x200, s17;
	_ =	swait.ge [sflag:s11], $0x1000  }
.Ltmp3:
0x5e: {  	[sflag:s11] =	ssyncset.done $0x0;
	(pc) =	sbr.rel @p0 .LBB2_8-.Ltmp3, $4  }
0x5f: {  	s19 =	sadd.s32 s19, s9;
	[sflag:s11] =	ssyncadd.s32 $0xFFFFF000  }
0x60: {  	[hbm4b:s19+s3] =	stream.linear.scatter [tilespmem:s10], [sflag:$0x2], $0x1000, $0x38;
	[tilespmem:$0x1A100] =	vst v63  }
0x61: {  	_ =	swait.ge [sflag:s11], $0x1000  }
0x62: {  	[sflag:s11] =	ssyncset.done $0x0  }
0x63: {  	s16 =	sadd.s32 $0x1, s16  }
0x64: {  	p0 =	sne.s32 s16, s6  }
.Ltmp4:
0x65: {  	_ = 	snop;
	(pc) =	sbr.rel @p0 .LBB2_1-.Ltmp4, $2  }
0x66: {  	_ =	sdelay $0x2  }
0x67: {  	[sflag:s11] =	ssyncadd.s32 $0xFFFFF000  }
0x68: {  	_ =	sfence.sel $0x180000  }
0x69: {  	[bflag:$0x0] =	sbarrier.arrive $0xFFFF  }
0x6a: {  	p0 =	sne.s32 s2, $0x0;
	_ =	strace $0x9000004A  }
0x6b: {  	s0 =	sadd.s32 @!p0 $0x100000, s0;
	[bflag:$0x2] =	sbarrier.arrive $0xFFFF  }
0x6c: {  	[sflag:s0] =	ssyncadd.tile.s32 @!p0 $0x1;
	_ =	shalt  }
.Lfunc_end2:
_tile_overlayer_lowered:
.L_overlay_start_2:
0x6d: {  	(tag) =	ssettag $0x2  }
0x6e: {  	s0 =	rddreg [dreg:$0x0];
	s2 =	stileid.u32  }
0x6f: {  	s1 =	rddreg [dreg:$0x1];
	p0 =	sne.s32 s2, $0x0  }
0x70: {  	s3 =	rddreg [dreg:$0x2];
	[bflag:$0x3] =	sbarrier.arrive $0xFFFF;
	s2 =	simm.s32 @!p0 $0x1C02  }
0x71: {  	[timem:s3], [sflag:s2] =	dma.local @!p0 [hbm:s0], s1  }
0x72: {  	s0 =	simm.s32 @!p0 $0x2  }
0x73: {  	_ =	swait.ge @!p0 [sflag:s0], s1  }
0x74: {  	s1 =	ssub.s32 @!p0 $0x0, s1;
	[sflag:s0] =	ssyncset.done @!p0 $0x0  }
0x75: {  	[sflag:s0] =	ssyncadd.s32 @!p0 s1  }
0x76: {  	[bflag:$0x3] =	sbarrier.arrive $0xFFFF  }
0x77: {  	_ =	shalt  }

// kernel: kernel.16.cloned.1.call-start
scs
__scs_entry_jumppad:
0x0: {  	(pc) =	sbr.rel $0x88, $3  }
0x1: {  	(tag) =	ssettag $0x0;
	lr =	simm.s32 $0x1  }
0x2: {  	[smem:$0x3F9E] =	sst lr;
	_ =	strace $0xD0000000  }
0x3: {  	_ = 	snop  }
0x4: {  	_ = 	snop  }
0x5: {  	_ = 	snop  }
0x6: {  	_ = 	snop  }
0x7: {  	_ = 	snop  }
__scs_overlays_trampoline_lowered:
0x8: {  	[smem:$0x3FAD] =	sst s0  }
0x9: {  	[smem:$0x3FAE] =	sst s1  }
0xa: {  	[smem:$0x3FAF] =	sst s2  }
0xb: {  	[smem:$0x3FB0] =	sst s3  }
0xc: {  	[smem:$0x3FB1] =	sst s4  }
0xd: {  	[smem:$0x3FB2] =	sst s5  }
0xe: {  	[smem:$0x3FB3] =	sst s6  }
0xf: {  	[smem:$0x3FB4] =	sst s7  }
0x10: {  	[smem:$0x3FB5] =	sst s8  }
0x11: {  	[smem:$0x3FB6] =	sst s9;
	s0 =	simm.s32 @!p0 $0x0  }
0x12: {  	s1 =	sld [smem:$0x3F9C];
	s0 =	simm.s32 @p0 $0x1  }
0x13: {  	[smem:$0x3FB7] =	sst s0;
	s0 =	simm.s32 @!p1 $0x0  }
0x14: {  	s2 =	sld [smem:$0x3F9B];
	s0 =	simm.s32 @p1 $0x1  }
0x15: {  	[smem:$0x3FB8] =	sst s0;
	s0 =	simm.s32 @!p2 $0x0  }
0x16: {  	s3 =	sld [smem:$0x3FDB];
	s0 =	simm.s32 @p2 $0x1  }
0x17: {  	s4 =	simm.s32 $0x1BF5;
	[smem:$0x3FBA] =	sst s0  }
0x18: {  	s0 =	sld [smem:$0x3F9D];
	_ =	swait.ge [sflag:s4], $0x0  }
0x19: {  	s7 =	sld [smem:$0x3F9E]  }
0x1a: {  	s8 =	sadd.s32 $0xFFFFE003, lr  }
0x1b: {  	s9 =	sadd.s32 $0xFFFFFEF7, lr;
	s5 =	simm.s32 $0xFFFFFFFF;
	p2 =	slt.u32 s8, $0xFFFFF086  }
0x1c: {  	p1 =	slt.u32 s9, $0xF7A;
	s5 =	simm.s32 @!p2 $0x0  }
0x1d: {  	s5 =	simm.s32 @p1 $0x1;
	p0 =	seq.s32 s7, s2  }
0x1e: {  	s7 =	smul.u32 @!p0 $0xF7A, s2;
	p2 =	seq.s32 @!p0 s5, $0x0  }
0x1f: {  	s9 =	smul.u32 $0xF7A, s1;
	s8 =	simm.s32 @!p0 $0x1BF5;
	p2 =	por !p2, p0  }
0x20: {  	[sflag:s8] =	ssyncset.s32 @!p0 $0xFFFFF086;
	s6 =	sadd.s32 @!p0 s3, s7;
	s7 =	simm.s32 @!p0 $0x108  }
0x21: {  	s3 =	sadd.s32 s3, s9;
	s6 =	sadd.s32 @!p0 $0x88, s6;
	s7 =	simm.s32 @p2 $0x1082  }
0x22: {  	[simem:s7], [sflag:s8] =	dma.local @!p0 [hbm:s6], $0xF7A  }
0x23: {  	s9 =	sor.u32 $0xD0000000, s2;
	s6 =	simm.s32 $0x108;
	_ =	swait.ge @!p0 [sflag:s8], $0x0  }
0x24: {  	s3 =	sadd.s32 $0x88, s3;
	s6 =	simm.s32 @!p1 $0x1082;
	[sflag:s4] =	ssyncset.s32 $0xFFFFF086  }
0x25: {  	[simem:s6], [sflag:s4] =	dma.local [hbm:s3], $0xF7A  }
0x26: {  	[smem:$0x3F9E] =	sst s1;
	(tag) =	ssettag s2;
	_ =	strace s9  }
0x27: {  	s1 =	sld [smem:$0x3FAE]  }
0x28: {  	s2 =	sld [smem:$0x3FAF]  }
0x29: {  	s4 =	sld [smem:$0x3FB1]  }
0x2a: {  	p0 =	seq.s32 s5, $0x0;
	s5 =	sld [smem:$0x3FB2]  }
0x2b: {  	s6 =	sld [smem:$0x3FB3]  }
0x2c: {  	s7 =	sld [smem:$0x3FB4]  }
0x2d: {  	s3 =	simm.s32 $0x108;
	s8 =	sld [smem:$0x3FB5]  }
0x2e: {  	s3 =	simm.s32 @!p0 $0x1082;
	s9 =	sld [smem:$0x3FB6]  }
0x2f: {  	lr =	sadd.s32 s0, s3;
	s0 =	sld [smem:$0x3FAD]  }
0x30: {  	s3 =	sld [smem:$0x3FB0]  }
0x31: {  	[smem:$0x3FB9] =	sst s10  }
0x32: {  	s10 =	sld [smem:$0x3FB7];
	_ =	sdelay $0x3  }
0x33: {  	p0 =	seq.s32 s10, $0x1;
	s10 =	sld [smem:$0x3FB9];
	_ =	sdelay $0x3  }
0x34: {  	[smem:$0x3FB9] =	sst s10  }
0x35: {  	s10 =	sld [smem:$0x3FB8];
	_ =	sdelay $0x3  }
0x36: {  	p1 =	seq.s32 s10, $0x1;
	s10 =	sld [smem:$0x3FB9];
	_ =	sdelay $0x3  }
0x37: {  	[smem:$0x3FB9] =	sst s10  }
0x38: {  	s10 =	sld [smem:$0x3FBA]  }
0x39: {  	_ = 	snop;
	(pc) =	sbr.ind lr, $3  }
0x3a: {  	_ = 	snop  }
0x3b: {  	_ = 	snop  }
0x3c: {  	p2 =	seq.s32 s10, $0x1;
	s10 =	sld [smem:$0x3FB9]  }
0x3d: {  	_ =	shalt  }
0x3e: {  	_ =	shalt  }
0x3f: {  	_ =	shalt  }
0x40: {  	_ =	shalt  }
0x41: {  	_ =	shalt  }
0x42: {  	_ =	shalt  }
0x43: {  	_ =	shalt  }
0x44: {  	_ =	shalt  }
0x45: {  	_ =	shalt  }
0x46: {  	_ =	shalt  }
0x47: {  	_ =	shalt  }
0x48: {  	_ =	shalt  }
0x49: {  	_ =	shalt  }
0x4a: {  	_ =	shalt  }
0x4b: {  	_ =	shalt  }
0x4c: {  	_ =	shalt  }
0x4d: {  	_ =	shalt  }
0x4e: {  	_ =	shalt  }
0x4f: {  	_ =	shalt  }
0x50: {  	_ =	shalt  }
0x51: {  	_ =	shalt  }
0x52: {  	_ =	shalt  }
0x53: {  	_ =	shalt  }
0x54: {  	_ =	shalt  }
0x55: {  	_ =	shalt  }
0x56: {  	_ =	shalt  }
0x57: {  	_ =	shalt  }
0x58: {  	_ =	shalt  }
0x59: {  	_ =	shalt  }
0x5a: {  	_ =	shalt  }
0x5b: {  	_ =	shalt  }
0x5c: {  	_ =	shalt  }
0x5d: {  	_ =	shalt  }
0x5e: {  	_ =	shalt  }
0x5f: {  	_ =	shalt  }
0x60: {  	_ =	shalt  }
0x61: {  	_ =	shalt  }
0x62: {  	_ =	shalt  }
0x63: {  	_ =	shalt  }
0x64: {  	_ =	shalt  }
0x65: {  	_ =	shalt  }
0x66: {  	_ =	shalt  }
0x67: {  	_ =	shalt  }
0x68: {  	_ =	shalt  }
0x69: {  	_ =	shalt  }
0x6a: {  	_ =	shalt  }
0x6b: {  	_ =	shalt  }
0x6c: {  	_ =	shalt  }
0x6d: {  	_ =	shalt  }
0x6e: {  	_ =	shalt  }
0x6f: {  	_ =	shalt  }
0x70: {  	_ =	shalt  }
0x71: {  	_ =	shalt  }
0x72: {  	_ =	shalt  }
0x73: {  	_ =	shalt  }
0x74: {  	_ =	shalt  }
0x75: {  	_ =	shalt  }
0x76: {  	_ =	shalt  }
0x77: {  	_ =	shalt  }
0x78: {  	_ =	shalt  }
0x79: {  	_ =	shalt  }
0x7a: {  	_ =	shalt  }
0x7b: {  	_ =	shalt  }
0x7c: {  	_ =	shalt  }
0x7d: {  	_ =	shalt  }
0x7e: {  	_ =	shalt  }
0x7f: {  	_ =	shalt  }
0x80: {  	_ =	shalt  }
0x81: {  	_ =	shalt  }
0x82: {  	_ =	shalt  }
0x83: {  	_ =	shalt  }
0x84: {  	_ =	shalt  }
0x85: {  	_ =	shalt  }
0x86: {  	_ =	shalt  }
0x87: {  	_ =	shalt  }
.Lfunc_end0:
.L_simem_size_0:
called_computation.2_lowered:
.L_overlay_start_0:
0x88: {  	s2 =	sld [smem:$0x3FD9]  }
0x89: {  	s3 =	sld [smem:$0x3FFE];
	_ =	sdelay $0x1  }
0x8a: {  	s1 =	srdreg.scid  }
0x8b: {  	s0 =	sand.u32 $0x1, s1  }
0x8c: {  	s14 =	sshll.u32 s0, $0xA;
	s2 =	sadd.s32 s3, s2  }
0x8d: {  	s2 =	sadd.s32 s2, s14  }
0x8e: {  	[smem:$0x3FC5] =	sst s2  }
0x8f: {  	_ = 	snop  }
0x90: {  	s2 =	sld [smem:$0x3FD0];
	_ =	sdelay $0x2  }
0x91: {  	s15 =	simm.s32 $0xA;
	s4 =	simm.s32 $0x10  }
0x92: {  	[smem:s4], [sflag:s15] =	dma.local [hbm:s2], $0x1  }
0x93: {  	_ =	swait.eq [sflag:s15], $0x1  }
0x94: {  	[sflag:s15] =	ssyncset.done $0x0  }
0x95: {  	s16 =	sld [smem:$0x11];
	[sflag:s15] =	ssyncadd.s32 $0xFFFFFFFF  }
0x96: {  	s17 =	sld [smem:$0x13];
	(tm) =	ssettm $0x1  }
0x97: {  	s18 =	sld [smem:$0x3FFB];
	_ =	sdelay $0x3  }
0x98: {  	_ =	strace s18  }
0x99: {  	s4 =	sld [smem:$0x3FFC];
	_ =	sdelay $0x3  }
0x9a: {  	_ =	strace s4  }
0x9b: {  	s4 =	sld [smem:$0x3FFD];
	_ =	sdelay $0x3  }
0x9c: {  	_ =	strace s4  }
0x9d: {  	_ =	strace $0x8FFFFFFF  }
0x9e: {  	s19 =	sld [smem:$0x3FDB];
	_ =	sdelay $0x1  }
0x9f: {  	s5 =	simm.s32 $_scs_section_size  }
0xa0: {  	s6 =	simm.s32 $_size__tile_overlayer_lowered;
	s7 =	simm.s32 $_tile_overlayer_lowered  }
0xa1: {  	s22 =	simm.s32 $0x1BFF;
	s21 =	sshll.u32 s7, $0x1;
	s4 =	sadd.s32 s5, s19  }
0xa2: {  	s8 =	simm.s32 $0x0;
	s20 =	sshll.u32 s6, $0x1;
	s6 =	sadd.s32 s21, s4  }
0xa3: {  	[timem:s8], [sflag:s22] =	dma.local [hbm:s6], s20  }
0xa4: {  	_ =	swait.ge [sflag:s22], s20  }
0xa5: {  	s5 =	ssub.s32 $0x0, s20;
	[sflag:s22] =	ssyncset.done $0x0  }
0xa6: {  	[sflag:s22] =	ssyncadd.s32 s5;
	_ =	sdelay $0x1  }
0xa7: {  	s23 =	simm.s32 $0x1B8B  }
0xa8: {  	_ =	swait.ge [sflag:s23], $0x1  }
0xa9: {  	[sflag:s23] =	ssyncset.done $0x0  }
0xaa: {  	s25 =	simm.s32 $0x1B8E;
	s24 =	sld [smem:$0x3FFE];
	[sflag:s23] =	ssyncadd.s32 $0xFFFFFFFF  }
0xab: {  	s26 =	simm.s32 $execute0_lowered;
	[smem:$0x3FD2] =	sst s25  }
0xac: {  	s6 =	sshll.u32 s26, $0x1;
	_ =	strace $0x8000004C;
	[dreg:$0x1] =	wrdreg $0xFFFFFFFF  }
0xad: {  	s28 =	simm.s32 $_size_execute0_lowered;
	s4 =	sadd.s32 s4, s6;
	[dreg:$0x0] =	wrdreg $0x0  }
0xae: {  	s6 =	sshll.u32 s28, $0x1;
	[dreg:$0x2] =	wrdreg s4  }
0xaf: {  	[dreg:$0x3] =	wrdreg s6  }
0xb0: {  	[dreg:$0x4] =	wrdreg $0xC0  }
0xb1: {  	_ =	task [dreg:s8], $0x5FFFF  }
0xb2: {  	[dreg:$0x1] =	wrdreg $0xFFFFFFFF  }
0xb3: {  	[dreg:$0x0] =	wrdreg $0x60  }
0xb4: {  	[dreg:$0x2] =	wrdreg s24  }
0xb5: {  	[dreg:$0x3] =	wrdreg s16  }
0xb6: {  	[dreg:$0x4] =	wrdreg s17  }
0xb7: {  	[dreg:$0x5] =	wrdreg $0x0  }
0xb8: {  	[dreg:$0x6] =	wrdreg $0x9  }
0xb9: {  	_ =	task.clear_ibuf [dreg:s8], $0x7FFFF;
	_ =	strace $0x9000004C  }
0xba: {  	s29 =	simm.s32 $0x9;
	_ =	strace $0x8000004E  }
0xbb: {  	_ =	swait.ge [sflag:s29], $0x1  }
0xbc: {  	[sflag:s29] =	ssyncadd.s32 $0xFFFFFFFF  }
0xbd: {  	_ =	strace $0x9000004E  }
0xbe: {  	_ =	sfence  }
0xbf: {  	s30 =	sld [smem:$0x0];
	_ =	sdelay $0x2  }
0xc0: {  	s31 =	sshll.u32 s1, $0xD;
	s1 =	sshrl.u32 s1, $0x2  }
0xc1: {  	s3 =	sand.u32 $0x4000, s31;
	s1 =	sadd.s32 s1, s30  }
0xc2: {  	s0 =	sor.u32 s3, s0;
	s1 =	sshll.u32 s1, $0x11  }
0xc3: {  	s0 =	sor.u32 s1, s0  }
0xc4: {  	s0 =	sadd.s32 $0x8F2B, s0  }
0xc5: {  	[sflag:s0] =	ssyncadd.remote.s32 $0x1  }
0xc6: {  	_ =	sfence.sel $0xFFFF  }
0xc7: {  	[dreg:$0x0] =	wrdreg $0xFFFFFFFF;
	(pc) =	sbr.abs _section_cstart, $3  }
0xc8: {  	[dreg:$0x1] =	wrdreg $0xFFFFFFFF  }
0xc9: {  	_ =	task.clear_ibuf [dreg:s8], $0x2FFFF;
	_ =	strace $0x9FFFFFFF  }
0xca: {  	(tm) =	ssettm $0x7FFFFFFF  }
0xcb: {  	_ =	shalt  }
tec
execute0_lowered:
.L_overlay_start_1:
0x0: {  	(tag) =	ssettag $0x1  }
0x1: {  	s5 =	rddreg [dreg:$0x0]  }
0x2: {  	s7 =	rddreg [dreg:$0x1]  }
0x3: {  	s8 =	rddreg [dreg:$0x2]  }
0x4: {  	s1 =	rddreg [dreg:$0x3];
	s2 =	srdreg.scid  }
0x5: {  	s0 =	rddreg [dreg:$0x4];
	s6 =	sand.u32 $0x1, s2  }
0x6: {  	s2 =	stileid.u32;
	s9 =	smul.u32 $0x32000, s6  }
0x7: {  	s3 =	simm.s32 $0x0;
	s15 =	simm.s32 $0x19080;
	s10 =	smul.u32 $0x64000, s2  }
0x8: {  	s16 =	simm.s32 $0x0;
	[smem:$0x7FF] =	sst s3;
	s12 =	smul.u32 $0x1880, s2  }
0x9: {  	s4 =	sadd.s32 $0x3600, s5;
	s11 =	ssub.s32 $0x2, s6;
	s14 =	smul.u32 $0x18800, s6  }
0xa: {  	_ =	strace $0x8000004D;
	s31 =	smul.u32 $0x3200, s2;
	s13 =	sshrl.u32 s11, $0x1  }
0xb: {  	s30 =	ssub.s32 s11, s13;
	s10 =	sshrl.u32 s10, $0x2;
	s9 =	sadd.s32 s9, s5  }
0xc: {  	s7 =	sadd.s32 s12, s7;
	s8 =	sadd.s32 s14, s8;
	s11 =	simm.s32 $0x2  }
0xd: {  	s13 =	simm.s32 $0x80;
	s14 =	simm.s32 $0x1;
	s5 =	sadd.s32 s10, s1  }
0xe: {  	s6 =	smax.u32 s30, $0x1;
	s9 =	sadd.s32 s31, s9;
	s8 =	sadd.s32 s12, s8  }
0xf: {  	v0 =	vimm.f32 $0.0e+00;
	s10 =	simm.s32 $0x19100;
	s12 =	simm.s32 $0x19000;
	s9 =	sadd.s32 $0x804600, s9  }
.LBB2_1:
0x10: {  	s17 =	simm.s32 $0x0  }
.LBB2_2:
0x11: {  	p0 =	sne.s32 s17, $0x3F80  }
.Ltmp0:
0x12: {  	_ = 	snop;
	(pc) =	sbr.rel @p0 .LBB2_2-.Ltmp0, $4  }
0x13: {  	_ = 	snop  }
0x14: {  	s18 =	sshra.s32 s17, $0x2  }
0x15: {  	[tilespmem:s18+$0x19100] =	vst v0  }
0x16: {  	s17 =	sadd.s32 $0x80, s17;
	[tilespmem:s18+$0x19110] =	vst v0  }
0x17: {  	s17 =	sadd.s32 $0x0, s5  }
0x18: {  	[spmem:s17] =	stream.linear.scatter [tilespmem:s10], [sflag:$0x2], $0x1000, $0x38;
	[tilespmem:$0x1A100] =	vst v63  }
0x19: {  	s17 =	simm.s32 $0x4000;
	_ =	swait.ge [sflag:s11], $0x1000  }
.LBB2_4:
0x1a: {  	s18 =	sshra.s32 s17, $0x2;
	[sflag:s11] =	ssyncset.done $0x0;
	p0 =	sne.s32 s17, $0x60000  }
.Ltmp1:
0x1b: {  	s18 =	sadd.s32 s18, s5;
	[sflag:s11] =	ssyncadd.s32 $0xFFFFF000;
	(pc) =	sbr.rel @p0 .LBB2_4-.Ltmp1, $3  }
0x1c: {  	[spmem:s18] =	stream.linear.scatter [tilespmem:s10], [sflag:$0x2], $0x1000, $0x38;
	[tilespmem:$0x1A100] =	vst v63  }
0x1d: {  	s17 =	sadd.s32 $0x4000, s17;
	_ =	sdelay $0x1  }
0x1e: {  	_ =	swait.ge [sflag:s11], $0x1000  }
0x1f: {  	[sflag:s11] =	ssyncset.done $0x0  }
0x20: {  	[sflag:s11] =	ssyncadd.s32 $0xFFFFF000  }
0x21: {  	s17 =	sadd.s32 $0x0, s8;
	[bflag:$0x0] =	sbarrier.arrive $0xFFFF  }
0x22: {  	[tilespmem:s12], [sflag:$0x2] =	stream.linear.gather [hbm4b:s17+s3], $0x80, $0x38;
	[tilespmem:$0x1A100] =	vst v63  }
0x23: {  	_ =	swait.ge [sflag:s11], $0x80  }
0x24: {  	[sflag:s11] =	ssyncset.done $0x0  }
0x25: {  	[sflag:s11] =	ssyncadd.s32 $0xFFFFFF80  }
0x26: {  	[tilespmem:s10], [sflag:$0x1] =	stream.indirect.gather [hbm4b:s4+s13], $0x20, s12, s13, $0xb8;
	[tilespmem:$0x1A100] =	vst v63  }
0x27: {  	_ =	swait.ge [sflag:s14], $0x1000  }
0x28: {  	[sflag:s14] =	ssyncset.done $0x0  }
0x29: {  	s31 =	sadd.s32 $0x0, s7;
	[sflag:s14] =	ssyncadd.s32 $0xFFFFF000  }
0x2a: {  	[tilespmem:s15], [sflag:$0x2] =	stream.linear.gather [hbm4b:s31+s3], $0x80, $0x38;
	[tilespmem:$0x1A100] =	vst v63  }
0x2b: {  	_ =	swait.ge [sflag:s11], $0x80  }
0x2c: {  	[sflag:s11] =	ssyncset.done $0x0  }
0x2d: {  	[sflag:s11] =	ssyncadd.s32 $0xFFFFFF80  }
0x2e: {  	[spmem:s1] =	stream.indirect.scatter.add.f32 [tilespmem:s10], [sflag:$0x2], $0x20, s15, s13, $0xb8;
	[tilespmem:$0x1A100] =	vst v63  }
0x2f: {  	_ =	swait.ge [sflag:s11], $0x1000  }
0x30: {  	s18 =	simm.s32 $0x20;
	s17 =	simm.s32 $0x10;
	[sflag:s11] =	ssyncset.done $0x0  }
.LBB2_6:
0x31: {  	s19 =	sadd.s32 s17, s8  }
0x32: {  	[sflag:s11] =	ssyncadd.s32 $0xFFFFF000;
	s20 =	smov.u32 s18;
	s21 =	sadd.s32 $0x10, s18  }
0x33: {  	[tilespmem:s12], [sflag:$0x2] =	stream.linear.gather [hbm4b:s19+s3], $0x80, $0x38;
	[tilespmem:$0x1A100] =	vst v63  }
0x34: {  	p0 =	sne.s32 s18, $0x1870;
	_ =	swait.ge [sflag:s11], $0x80  }
0x35: {  	[sflag:s11] =	ssyncset.done $0x0  }
0x36: {  	[sflag:s11] =	ssyncadd.s32 $0xFFFFFF80  }
0x37: {  	[tilespmem:s10], [sflag:$0x1] =	stream.indirect.gather [hbm4b:s4+s13], $0x20, s12, s13, $0xb8;
	[tilespmem:$0x1A100] =	vst v63  }
0x38: {  	_ =	swait.ge [sflag:s14], $0x1000  }
0x39: {  	[sflag:s14] =	ssyncset.done $0x0  }
0x3a: {  	s18 =	sadd.s32 s17, s7;
	s17 =	smov.u32 s20;
	[sflag:s14] =	ssyncadd.s32 $0xFFFFF000  }
0x3b: {  	[tilespmem:s15], [sflag:$0x2] =	stream.linear.gather [hbm4b:s18+s3], $0x80, $0x38;
	[tilespmem:$0x1A100] =	vst v63  }
0x3c: {  	_ =	swait.ge [sflag:s11], $0x80  }
.Ltmp2:
0x3d: {  	[sflag:s11] =	ssyncset.done $0x0;
	(pc) =	sbr.rel @p0 .LBB2_6-.Ltmp2, $4  }
0x3e: {  	[sflag:s11] =	ssyncadd.s32 $0xFFFFFF80  }
0x3f: {  	[spmem:s1] =	stream.indirect.scatter.add.f32 [tilespmem:s10], [sflag:$0x2], $0x20, s15, s13, $0xb8;
	[tilespmem:$0x1A100] =	vst v63  }
0x40: {  	_ =	swait.ge [sflag:s11], $0x1000  }
0x41: {  	s18 =	smov.u32 s21;
	[sflag:s11] =	ssyncset.done $0x0  }
0x42: {  	s18 =	sadd.s32 s17, s8;
	[sflag:s11] =	ssyncadd.s32 $0xFFFFF000  }
0x43: {  	[tilespmem:s12], [sflag:$0x2] =	stream.linear.gather [hbm4b:s18+s3], $0x80, $0x38;
	[tilespmem:$0x1A100] =	vst v63  }
0x44: {  	_ =	swait.ge [sflag:s11], $0x80  }
0x45: {  	[sflag:s11] =	ssyncset.done $0x0  }
0x46: {  	[sflag:s11] =	ssyncadd.s32 $0xFFFFFF80  }
0x47: {  	[tilespmem:s10], [sflag:$0x1] =	stream.indirect.gather [hbm4b:s4+s13], $0x20, s12, s13, $0xb8;
	[tilespmem:$0x1A100] =	vst v63  }
0x48: {  	_ =	swait.ge [sflag:s14], $0x1000  }
0x49: {  	[sflag:s14] =	ssyncset.done $0x0  }
0x4a: {  	s30 =	sadd.s32 s17, s7;
	[sflag:s14] =	ssyncadd.s32 $0xFFFFF000  }
0x4b: {  	[tilespmem:s15], [sflag:$0x2] =	stream.linear.gather [hbm4b:s30+s3], $0x80, $0x38;
	[tilespmem:$0x1A100] =	vst v63  }
0x4c: {  	_ =	swait.ge [sflag:s11], $0x80  }
0x4d: {  	[sflag:s11] =	ssyncset.done $0x0  }
0x4e: {  	[sflag:s11] =	ssyncadd.s32 $0xFFFFFF80  }
0x4f: {  	[spmem:s1] =	stream.indirect.scatter.add.f32 [tilespmem:s10], [sflag:$0x2], $0x20, s15, s13, $0xb8;
	[tilespmem:$0x1A100] =	vst v63  }
0x50: {  	_ =	swait.ge [sflag:s11], $0x1000  }
0x51: {  	[sflag:s11] =	ssyncset.done $0x0  }
0x52: {  	[sflag:s11] =	ssyncadd.s32 $0xFFFFF000  }
0x53: {  	[bflag:$0x0] =	sbarrier.arrive $0xFFFF  }
0x54: {  	[tilespmem:s10], [sflag:$0x2] =	stream.linear.gather [spmem:s5], $0x1000, $0x38;
	[tilespmem:$0x1A100] =	vst v63  }
0x55: {  	_ =	swait.ge [sflag:s11], $0x1000  }
0x56: {  	[sflag:s11] =	ssyncset.done $0x0  }
0x57: {  	s31 =	sadd.s32 $0x0, s9;
	[sflag:s11] =	ssyncadd.s32 $0xFFFFF000  }
0x58: {  	[hbm4b:s31+s3] =	stream.linear.scatter [tilespmem:s10], [sflag:$0x2], $0x1000, $0x38;
	[tilespmem:$0x1A100] =	vst v63  }
0x59: {  	_ =	swait.ge [sflag:s11], $0x1000  }
0x5a: {  	s17 =	simm.s32 $0x200;
	s18 =	smov.u32 s5;
	[sflag:s11] =	ssyncset.done $0x0  }
.LBB2_8:
0x5b: {  	p0 =	sne.s32 s17, $0x3000;
	[sflag:s11] =	ssyncadd.s32 $0xFFFFF000;
	s18 =	sadd.s32 $0x1000, s18  }
0x5c: {  	[tilespmem:s10], [sflag:$0x2] =	stream.linear.gather [spmem:s18], $0x1000, $0x38;
	[tilespmem:$0x1A100] =	vst v63  }
0x5d: {  	s19 =	smov.u32 s17;
	s17 =	sadd.s32 $0x200, s17;
	_ =	swait.ge [sflag:s11], $0x1000  }
.Ltmp3:
0x5e: {  	[sflag:s11] =	ssyncset.done $0x0;
	(pc) =	sbr.rel @p0 .LBB2_8-.Ltmp3, $4  }
0x5f: {  	s19 =	sadd.s32 s19, s9;
	[sflag:s11] =	ssyncadd.s32 $0xFFFFF000  }
0x60: {  	[hbm4b:s19+s3] =	stream.linear.scatter [tilespmem:s10], [sflag:$0x2], $0x1000, $0x38;
	[tilespmem:$0x1A100] =	vst v63  }
0x61: {  	_ =	swait.ge [sflag:s11], $0x1000  }
0x62: {  	[sflag:s11] =	ssyncset.done $0x0  }
0x63: {  	s16 =	sadd.s32 $0x1, s16  }
0x64: {  	p0 =	sne.s32 s16, s6  }
.Ltmp4:
0x65: {  	_ = 	snop;
	(pc) =	sbr.rel @p0 .LBB2_1-.Ltmp4, $2  }
0x66: {  	_ =	sdelay $0x2  }
0x67: {  	[sflag:s11] =	ssyncadd.s32 $0xFFFFF000  }
0x68: {  	_ =	sfence.sel $0x180000  }
0x69: {  	[bflag:$0x0] =	sbarrier.arrive $0xFFFF  }
0x6a: {  	p0 =	sne.s32 s2, $0x0;
	_ =	strace $0x9000004D  }
0x6b: {  	s0 =	sadd.s32 @!p0 $0x100000, s0;
	[bflag:$0x2] =	sbarrier.arrive $0xFFFF  }
0x6c: {  	[sflag:s0] =	ssyncadd.tile.s32 @!p0 $0x1;
	_ =	shalt  }
.Lfunc_end2:
_tile_overlayer_lowered:
.L_overlay_start_2:
0x6d: {  	(tag) =	ssettag $0x2  }
0x6e: {  	s0 =	rddreg [dreg:$0x0];
	s2 =	stileid.u32  }
0x6f: {  	s1 =	rddreg [dreg:$0x1];
	p0 =	sne.s32 s2, $0x0  }
0x70: {  	s3 =	rddreg [dreg:$0x2];
	[bflag:$0x3] =	sbarrier.arrive $0xFFFF;
	s2 =	simm.s32 @!p0 $0x1C02  }
0x71: {  	[timem:s3], [sflag:s2] =	dma.local @!p0 [hbm:s0], s1  }
0x72: {  	s0 =	simm.s32 @!p0 $0x2  }
0x73: {  	_ =	swait.ge @!p0 [sflag:s0], s1  }
0x74: {  	s1 =	ssub.s32 @!p0 $0x0, s1;
	[sflag:s0] =	ssyncset.done @!p0 $0x0  }
0x75: {  	[sflag:s0] =	ssyncadd.s32 @!p0 s1  }
0x76: {  	[bflag:$0x3] =	sbarrier.arrive $0xFFFF  }
0x77: {  	_ =	shalt  }

// kernel: kernel.19.cloned.1.call-start
scs
__scs_entry_jumppad:
0x0: {  	(pc) =	sbr.rel $0x88, $3  }
0x1: {  	(tag) =	ssettag $0x0;
	lr =	simm.s32 $0x1  }
0x2: {  	[smem:$0x3F9E] =	sst lr;
	_ =	strace $0xD0000000  }
0x3: {  	_ = 	snop  }
0x4: {  	_ = 	snop  }
0x5: {  	_ = 	snop  }
0x6: {  	_ = 	snop  }
0x7: {  	_ = 	snop  }
__scs_overlays_trampoline_lowered:
0x8: {  	[smem:$0x3FAD] =	sst s0  }
0x9: {  	[smem:$0x3FAE] =	sst s1  }
0xa: {  	[smem:$0x3FAF] =	sst s2  }
0xb: {  	[smem:$0x3FB0] =	sst s3  }
0xc: {  	[smem:$0x3FB1] =	sst s4  }
0xd: {  	[smem:$0x3FB2] =	sst s5  }
0xe: {  	[smem:$0x3FB3] =	sst s6  }
0xf: {  	[smem:$0x3FB4] =	sst s7  }
0x10: {  	[smem:$0x3FB5] =	sst s8  }
0x11: {  	[smem:$0x3FB6] =	sst s9;
	s0 =	simm.s32 @!p0 $0x0  }
0x12: {  	s1 =	sld [smem:$0x3F9C];
	s0 =	simm.s32 @p0 $0x1  }
0x13: {  	[smem:$0x3FB7] =	sst s0;
	s0 =	simm.s32 @!p1 $0x0  }
0x14: {  	s2 =	sld [smem:$0x3F9B];
	s0 =	simm.s32 @p1 $0x1  }
0x15: {  	[smem:$0x3FB8] =	sst s0;
	s0 =	simm.s32 @!p2 $0x0  }
0x16: {  	s3 =	sld [smem:$0x3FDB];
	s0 =	simm.s32 @p2 $0x1  }
0x17: {  	s4 =	simm.s32 $0x1BF5;
	[smem:$0x3FBA] =	sst s0  }
0x18: {  	s0 =	sld [smem:$0x3F9D];
	_ =	swait.ge [sflag:s4], $0x0  }
0x19: {  	s7 =	sld [smem:$0x3F9E]  }
0x1a: {  	s8 =	sadd.s32 $0xFFFFE003, lr  }
0x1b: {  	s9 =	sadd.s32 $0xFFFFFEF7, lr;
	s5 =	simm.s32 $0xFFFFFFFF;
	p2 =	slt.u32 s8, $0xFFFFF086  }
0x1c: {  	p1 =	slt.u32 s9, $0xF7A;
	s5 =	simm.s32 @!p2 $0x0  }
0x1d: {  	s5 =	simm.s32 @p1 $0x1;
	p0 =	seq.s32 s7, s2  }
0x1e: {  	s7 =	smul.u32 @!p0 $0xF7A, s2;
	p2 =	seq.s32 @!p0 s5, $0x0  }
0x1f: {  	s9 =	smul.u32 $0xF7A, s1;
	s8 =	simm.s32 @!p0 $0x1BF5;
	p2 =	por !p2, p0  }
0x20: {  	[sflag:s8] =	ssyncset.s32 @!p0 $0xFFFFF086;
	s6 =	sadd.s32 @!p0 s3, s7;
	s7 =	simm.s32 @!p0 $0x108  }
0x21: {  	s3 =	sadd.s32 s3, s9;
	s6 =	sadd.s32 @!p0 $0x88, s6;
	s7 =	simm.s32 @p2 $0x1082  }
0x22: {  	[simem:s7], [sflag:s8] =	dma.local @!p0 [hbm:s6], $0xF7A  }
0x23: {  	s9 =	sor.u32 $0xD0000000, s2;
	s6 =	simm.s32 $0x108;
	_ =	swait.ge @!p0 [sflag:s8], $0x0  }
0x24: {  	s3 =	sadd.s32 $0x88, s3;
	s6 =	simm.s32 @!p1 $0x1082;
	[sflag:s4] =	ssyncset.s32 $0xFFFFF086  }
0x25: {  	[simem:s6], [sflag:s4] =	dma.local [hbm:s3], $0xF7A  }
0x26: {  	[smem:$0x3F9E] =	sst s1;
	(tag) =	ssettag s2;
	_ =	strace s9  }
0x27: {  	s1 =	sld [smem:$0x3FAE]  }
0x28: {  	s2 =	sld [smem:$0x3FAF]  }
0x29: {  	s4 =	sld [smem:$0x3FB1]  }
0x2a: {  	p0 =	seq.s32 s5, $0x0;
	s5 =	sld [smem:$0x3FB2]  }
0x2b: {  	s6 =	sld [smem:$0x3FB3]  }
0x2c: {  	s7 =	sld [smem:$0x3FB4]  }
0x2d: {  	s3 =	simm.s32 $0x108;
	s8 =	sld [smem:$0x3FB5]  }
0x2e: {  	s3 =	simm.s32 @!p0 $0x1082;
	s9 =	sld [smem:$0x3FB6]  }
0x2f: {  	lr =	sadd.s32 s0, s3;
	s0 =	sld [smem:$0x3FAD]  }
0x30: {  	s3 =	sld [smem:$0x3FB0]  }
0x31: {  	[smem:$0x3FB9] =	sst s10  }
0x32: {  	s10 =	sld [smem:$0x3FB7];
	_ =	sdelay $0x3  }
0x33: {  	p0 =	seq.s32 s10, $0x1;
	s10 =	sld [smem:$0x3FB9];
	_ =	sdelay $0x3  }
0x34: {  	[smem:$0x3FB9] =	sst s10  }
0x35: {  	s10 =	sld [smem:$0x3FB8];
	_ =	sdelay $0x3  }
0x36: {  	p1 =	seq.s32 s10, $0x1;
	s10 =	sld [smem:$0x3FB9];
	_ =	sdelay $0x3  }
0x37: {  	[smem:$0x3FB9] =	sst s10  }
0x38: {  	s10 =	sld [smem:$0x3FBA]  }
0x39: {  	_ = 	snop;
	(pc) =	sbr.ind lr, $3  }
0x3a: {  	_ = 	snop  }
0x3b: {  	_ = 	snop  }
0x3c: {  	p2 =	seq.s32 s10, $0x1;
	s10 =	sld [smem:$0x3FB9]  }
0x3d: {  	_ =	shalt  }
0x3e: {  	_ =	shalt  }
0x3f: {  	_ =	shalt  }
0x40: {  	_ =	shalt  }
0x41: {  	_ =	shalt  }
0x42: {  	_ =	shalt  }
0x43: {  	_ =	shalt  }
0x44: {  	_ =	shalt  }
0x45: {  	_ =	shalt  }
0x46: {  	_ =	shalt  }
0x47: {  	_ =	shalt  }
0x48: {  	_ =	shalt  }
0x49: {  	_ =	shalt  }
0x4a: {  	_ =	shalt  }
0x4b: {  	_ =	shalt  }
0x4c: {  	_ =	shalt  }
0x4d: {  	_ =	shalt  }
0x4e: {  	_ =	shalt  }
0x4f: {  	_ =	shalt  }
0x50: {  	_ =	shalt  }
0x51: {  	_ =	shalt  }
0x52: {  	_ =	shalt  }
0x53: {  	_ =	shalt  }
0x54: {  	_ =	shalt  }
0x55: {  	_ =	shalt  }
0x56: {  	_ =	shalt  }
0x57: {  	_ =	shalt  }
0x58: {  	_ =	shalt  }
0x59: {  	_ =	shalt  }
0x5a: {  	_ =	shalt  }
0x5b: {  	_ =	shalt  }
0x5c: {  	_ =	shalt  }
0x5d: {  	_ =	shalt  }
0x5e: {  	_ =	shalt  }
0x5f: {  	_ =	shalt  }
0x60: {  	_ =	shalt  }
0x61: {  	_ =	shalt  }
0x62: {  	_ =	shalt  }
0x63: {  	_ =	shalt  }
0x64: {  	_ =	shalt  }
0x65: {  	_ =	shalt  }
0x66: {  	_ =	shalt  }
0x67: {  	_ =	shalt  }
0x68: {  	_ =	shalt  }
0x69: {  	_ =	shalt  }
0x6a: {  	_ =	shalt  }
0x6b: {  	_ =	shalt  }
0x6c: {  	_ =	shalt  }
0x6d: {  	_ =	shalt  }
0x6e: {  	_ =	shalt  }
0x6f: {  	_ =	shalt  }
0x70: {  	_ =	shalt  }
0x71: {  	_ =	shalt  }
0x72: {  	_ =	shalt  }
0x73: {  	_ =	shalt  }
0x74: {  	_ =	shalt  }
0x75: {  	_ =	shalt  }
0x76: {  	_ =	shalt  }
0x77: {  	_ =	shalt  }
0x78: {  	_ =	shalt  }
0x79: {  	_ =	shalt  }
0x7a: {  	_ =	shalt  }
0x7b: {  	_ =	shalt  }
0x7c: {  	_ =	shalt  }
0x7d: {  	_ =	shalt  }
0x7e: {  	_ =	shalt  }
0x7f: {  	_ =	shalt  }
0x80: {  	_ =	shalt  }
0x81: {  	_ =	shalt  }
0x82: {  	_ =	shalt  }
0x83: {  	_ =	shalt  }
0x84: {  	_ =	shalt  }
0x85: {  	_ =	shalt  }
0x86: {  	_ =	shalt  }
0x87: {  	_ =	shalt  }
.Lfunc_end0:
.L_simem_size_0:
called_computation.3_lowered:
.L_overlay_start_0:
0x88: {  	s2 =	sld [smem:$0x3FD9]  }
0x89: {  	s3 =	sld [smem:$0x3FFE];
	_ =	sdelay $0x1  }
0x8a: {  	s1 =	srdreg.scid  }
0x8b: {  	s0 =	sand.u32 $0x1, s1  }
0x8c: {  	s14 =	sshll.u32 s0, $0xA;
	s2 =	sadd.s32 s3, s2  }
0x8d: {  	s2 =	sadd.s32 s2, s14  }
0x8e: {  	[smem:$0x3FC5] =	sst s2  }
0x8f: {  	_ = 	snop  }
0x90: {  	s2 =	sld [smem:$0x3FD0];
	_ =	sdelay $0x2  }
0x91: {  	s15 =	simm.s32 $0xA;
	s4 =	simm.s32 $0x10  }
0x92: {  	[smem:s4], [sflag:s15] =	dma.local [hbm:s2], $0x1  }
0x93: {  	_ =	swait.eq [sflag:s15], $0x1  }
0x94: {  	[sflag:s15] =	ssyncset.done $0x0  }
0x95: {  	s16 =	sld [smem:$0x11];
	[sflag:s15] =	ssyncadd.s32 $0xFFFFFFFF  }
0x96: {  	s17 =	sld [smem:$0x13];
	(tm) =	ssettm $0x1  }
0x97: {  	s18 =	sld [smem:$0x3FFB];
	_ =	sdelay $0x3  }
0x98: {  	_ =	strace s18  }
0x99: {  	s4 =	sld [smem:$0x3FFC];
	_ =	sdelay $0x3  }
0x9a: {  	_ =	strace s4  }
0x9b: {  	s4 =	sld [smem:$0x3FFD];
	_ =	sdelay $0x3  }
0x9c: {  	_ =	strace s4  }
0x9d: {  	_ =	strace $0x8FFFFFFF  }
0x9e: {  	s19 =	sld [smem:$0x3FDB];
	_ =	sdelay $0x1  }
0x9f: {  	s5 =	simm.s32 $_scs_section_size  }
0xa0: {  	s6 =	simm.s32 $_size__tile_overlayer_lowered;
	s7 =	simm.s32 $_tile_overlayer_lowered  }
0xa1: {  	s22 =	simm.s32 $0x1BFF;
	s21 =	sshll.u32 s7, $0x1;
	s4 =	sadd.s32 s5, s19  }
0xa2: {  	s8 =	simm.s32 $0x0;
	s20 =	sshll.u32 s6, $0x1;
	s6 =	sadd.s32 s21, s4  }
0xa3: {  	[timem:s8], [sflag:s22] =	dma.local [hbm:s6], s20  }
0xa4: {  	_ =	swait.ge [sflag:s22], s20  }
0xa5: {  	s5 =	ssub.s32 $0x0, s20;
	[sflag:s22] =	ssyncset.done $0x0  }
0xa6: {  	[sflag:s22] =	ssyncadd.s32 s5;
	_ =	sdelay $0x1  }
0xa7: {  	s23 =	simm.s32 $0x1B8B  }
0xa8: {  	_ =	swait.ge [sflag:s23], $0x1  }
0xa9: {  	[sflag:s23] =	ssyncset.done $0x0  }
0xaa: {  	s25 =	simm.s32 $0x1B8E;
	s24 =	sld [smem:$0x3FFE];
	[sflag:s23] =	ssyncadd.s32 $0xFFFFFFFF  }
0xab: {  	s26 =	simm.s32 $execute0_lowered;
	[smem:$0x3FD2] =	sst s25  }
0xac: {  	s6 =	sshll.u32 s26, $0x1;
	_ =	strace $0x8000004F;
	[dreg:$0x1] =	wrdreg $0xFFFFFFFF  }
0xad: {  	s28 =	simm.s32 $_size_execute0_lowered;
	s4 =	sadd.s32 s4, s6;
	[dreg:$0x0] =	wrdreg $0x0  }
0xae: {  	s6 =	sshll.u32 s28, $0x1;
	[dreg:$0x2] =	wrdreg s4  }
0xaf: {  	[dreg:$0x3] =	wrdreg s6  }
0xb0: {  	[dreg:$0x4] =	wrdreg $0xC0  }
0xb1: {  	_ =	task [dreg:s8], $0x5FFFF  }
0xb2: {  	[dreg:$0x1] =	wrdreg $0xFFFFFFFF  }
0xb3: {  	[dreg:$0x0] =	wrdreg $0x60  }
0xb4: {  	[dreg:$0x2] =	wrdreg s24  }
0xb5: {  	[dreg:$0x3] =	wrdreg s16  }
0xb6: {  	[dreg:$0x4] =	wrdreg s17  }
0xb7: {  	[dreg:$0x5] =	wrdreg $0x0  }
0xb8: {  	[dreg:$0x6] =	wrdreg $0x9  }
0xb9: {  	_ =	task.clear_ibuf [dreg:s8], $0x7FFFF;
	_ =	strace $0x9000004F  }
0xba: {  	s29 =	simm.s32 $0x9;
	_ =	strace $0x80000051  }
0xbb: {  	_ =	swait.ge [sflag:s29], $0x1  }
0xbc: {  	[sflag:s29] =	ssyncadd.s32 $0xFFFFFFFF  }
0xbd: {  	_ =	strace $0x90000051  }
0xbe: {  	_ =	sfence  }
0xbf: {  	s30 =	sld [smem:$0x0];
	_ =	sdelay $0x2  }
0xc0: {  	s31 =	sshll.u32 s1, $0xD;
	s1 =	sshrl.u32 s1, $0x2  }
0xc1: {  	s3 =	sand.u32 $0x4000, s31;
	s1 =	sadd.s32 s1, s30  }
0xc2: {  	s0 =	sor.u32 s3, s0;
	s1 =	sshll.u32 s1, $0x11  }
0xc3: {  	s0 =	sor.u32 s1, s0  }
0xc4: {  	s0 =	sadd.s32 $0x8F2B, s0  }
0xc5: {  	[sflag:s0] =	ssyncadd.remote.s32 $0x1  }
0xc6: {  	_ =	sfence.sel $0xFFFF  }
0xc7: {  	[dreg:$0x0] =	wrdreg $0xFFFFFFFF;
	(pc) =	sbr.abs _section_cstart, $3  }
0xc8: {  	[dreg:$0x1] =	wrdreg $0xFFFFFFFF  }
0xc9: {  	_ =	task.clear_ibuf [dreg:s8], $0x2FFFF;
	_ =	strace $0x9FFFFFFF  }
0xca: {  	(tm) =	ssettm $0x7FFFFFFF  }
0xcb: {  	_ =	shalt  }
tec
execute0_lowered:
.L_overlay_start_1:
0x0: {  	(tag) =	ssettag $0x1  }
0x1: {  	s5 =	rddreg [dreg:$0x0]  }
0x2: {  	s7 =	rddreg [dreg:$0x1]  }
0x3: {  	s8 =	rddreg [dreg:$0x2]  }
0x4: {  	s1 =	rddreg [dreg:$0x3];
	s2 =	srdreg.scid  }
0x5: {  	s0 =	rddreg [dreg:$0x4];
	s6 =	sand.u32 $0x1, s2  }
0x6: {  	s2 =	stileid.u32;
	s9 =	smul.u32 $0x32000, s6  }
0x7: {  	s3 =	simm.s32 $0x0;
	s15 =	simm.s32 $0x19080;
	s10 =	smul.u32 $0x64000, s2  }
0x8: {  	s16 =	simm.s32 $0x0;
	[smem:$0x7FF] =	sst s3;
	s12 =	smul.u32 $0x1880, s2  }
0x9: {  	s4 =	sadd.s32 $0x3600, s5;
	s11 =	ssub.s32 $0x2, s6;
	s14 =	smul.u32 $0x18800, s6  }
0xa: {  	_ =	strace $0x80000050;
	s31 =	smul.u32 $0x3200, s2;
	s13 =	sshrl.u32 s11, $0x1  }
0xb: {  	s30 =	ssub.s32 s11, s13;
	s10 =	sshrl.u32 s10, $0x2;
	s9 =	sadd.s32 s9, s5  }
0xc: {  	s7 =	sadd.s32 s12, s7;
	s8 =	sadd.s32 s14, s8;
	s11 =	simm.s32 $0x2  }
0xd: {  	s13 =	simm.s32 $0x80;
	s14 =	simm.s32 $0x1;
	s5 =	sadd.s32 s10, s1  }
0xe: {  	s6 =	smax.u32 s30, $0x1;
	s9 =	sadd.s32 s31, s9;
	s8 =	sadd.s32 s12, s8  }
0xf: {  	v0 =	vimm.f32 $0.0e+00;
	s10 =	simm.s32 $0x19100;
	s12 =	simm.s32 $0x19000;
	s9 =	sadd.s32 $0x67600, s9  }
.LBB2_1:
0x10: {  	s17 =	simm.s32 $0x0  }
.LBB2_2:
0x11: {  	p0 =	sne.s32 s17, $0x3F80  }
.Ltmp0:
0x12: {  	_ = 	snop;
	(pc) =	sbr.rel @p0 .LBB2_2-.Ltmp0, $4  }
0x13: {  	_ = 	snop  }
0x14: {  	s18 =	sshra.s32 s17, $0x2  }
0x15: {  	[tilespmem:s18+$0x19100] =	vst v0  }
0x16: {  	s17 =	sadd.s32 $0x80, s17;
	[tilespmem:s18+$0x19110] =	vst v0  }
0x17: {  	s17 =	sadd.s32 $0x0, s5  }
0x18: {  	[spmem:s17] =	stream.linear.scatter [tilespmem:s10], [sflag:$0x2], $0x1000, $0x38;
	[tilespmem:$0x1A100] =	vst v63  }
0x19: {  	s17 =	simm.s32 $0x4000;
	_ =	swait.ge [sflag:s11], $0x1000  }
.LBB2_4:
0x1a: {  	s18 =	sshra.s32 s17, $0x2;
	[sflag:s11] =	ssyncset.done $0x0;
	p0 =	sne.s32 s17, $0x60000  }
.Ltmp1:
0x1b: {  	s18 =	sadd.s32 s18, s5;
	[sflag:s11] =	ssyncadd.s32 $0xFFFFF000;
	(pc) =	sbr.rel @p0 .LBB2_4-.Ltmp1, $3  }
0x1c: {  	[spmem:s18] =	stream.linear.scatter [tilespmem:s10], [sflag:$0x2], $0x1000, $0x38;
	[tilespmem:$0x1A100] =	vst v63  }
0x1d: {  	s17 =	sadd.s32 $0x4000, s17;
	_ =	sdelay $0x1  }
0x1e: {  	_ =	swait.ge [sflag:s11], $0x1000  }
0x1f: {  	[sflag:s11] =	ssyncset.done $0x0  }
0x20: {  	[sflag:s11] =	ssyncadd.s32 $0xFFFFF000  }
0x21: {  	s17 =	sadd.s32 $0x0, s8;
	[bflag:$0x0] =	sbarrier.arrive $0xFFFF  }
0x22: {  	[tilespmem:s12], [sflag:$0x2] =	stream.linear.gather [hbm4b:s17+s3], $0x80, $0x38;
	[tilespmem:$0x1A100] =	vst v63  }
0x23: {  	_ =	swait.ge [sflag:s11], $0x80  }
0x24: {  	[sflag:s11] =	ssyncset.done $0x0  }
0x25: {  	[sflag:s11] =	ssyncadd.s32 $0xFFFFFF80  }
0x26: {  	[tilespmem:s10], [sflag:$0x1] =	stream.indirect.gather [hbm4b:s4+s13], $0x20, s12, s13, $0xb8;
	[tilespmem:$0x1A100] =	vst v63  }
0x27: {  	_ =	swait.ge [sflag:s14], $0x1000  }
0x28: {  	[sflag:s14] =	ssyncset.done $0x0  }
0x29: {  	s31 =	sadd.s32 $0x0, s7;
	[sflag:s14] =	ssyncadd.s32 $0xFFFFF000  }
0x2a: {  	[tilespmem:s15], [sflag:$0x2] =	stream.linear.gather [hbm4b:s31+s3], $0x80, $0x38;
	[tilespmem:$0x1A100] =	vst v63  }
0x2b: {  	_ =	swait.ge [sflag:s11], $0x80  }
0x2c: {  	[sflag:s11] =	ssyncset.done $0x0  }
0x2d: {  	[sflag:s11] =	ssyncadd.s32 $0xFFFFFF80  }
0x2e: {  	[spmem:s1] =	stream.indirect.scatter.add.f32 [tilespmem:s10], [sflag:$0x2], $0x20, s15, s13, $0xb8;
	[tilespmem:$0x1A100] =	vst v63  }
0x2f: {  	_ =	swait.ge [sflag:s11], $0x1000  }
0x30: {  	s18 =	simm.s32 $0x20;
	s17 =	simm.s32 $0x10;
	[sflag:s11] =	ssyncset.done $0x0  }
.LBB2_6:
0x31: {  	s19 =	sadd.s32 s17, s8  }
0x32: {  	[sflag:s11] =	ssyncadd.s32 $0xFFFFF000;
	s20 =	smov.u32 s18;
	s21 =	sadd.s32 $0x10, s18  }
0x33: {  	[tilespmem:s12], [sflag:$0x2] =	stream.linear.gather [hbm4b:s19+s3], $0x80, $0x38;
	[tilespmem:$0x1A100] =	vst v63  }
0x34: {  	p0 =	sne.s32 s18, $0x1870;
	_ =	swait.ge [sflag:s11], $0x80  }
0x35: {  	[sflag:s11] =	ssyncset.done $0x0  }
0x36: {  	[sflag:s11] =	ssyncadd.s32 $0xFFFFFF80  }
0x37: {  	[tilespmem:s10], [sflag:$0x1] =	stream.indirect.gather [hbm4b:s4+s13], $0x20, s12, s13, $0xb8;
	[tilespmem:$0x1A100] =	vst v63  }
0x38: {  	_ =	swait.ge [sflag:s14], $0x1000  }
0x39: {  	[sflag:s14] =	ssyncset.done $0x0  }
0x3a: {  	s18 =	sadd.s32 s17, s7;
	s17 =	smov.u32 s20;
	[sflag:s14] =	ssyncadd.s32 $0xFFFFF000  }
0x3b: {  	[tilespmem:s15], [sflag:$0x2] =	stream.linear.gather [hbm4b:s18+s3], $0x80, $0x38;
	[tilespmem:$0x1A100] =	vst v63  }
0x3c: {  	_ =	swait.ge [sflag:s11], $0x80  }
.Ltmp2:
0x3d: {  	[sflag:s11] =	ssyncset.done $0x0;
	(pc) =	sbr.rel @p0 .LBB2_6-.Ltmp2, $4  }
0x3e: {  	[sflag:s11] =	ssyncadd.s32 $0xFFFFFF80  }
0x3f: {  	[spmem:s1] =	stream.indirect.scatter.add.f32 [tilespmem:s10], [sflag:$0x2], $0x20, s15, s13, $0xb8;
	[tilespmem:$0x1A100] =	vst v63  }
0x40: {  	_ =	swait.ge [sflag:s11], $0x1000  }
0x41: {  	s18 =	smov.u32 s21;
	[sflag:s11] =	ssyncset.done $0x0  }
0x42: {  	s18 =	sadd.s32 s17, s8;
	[sflag:s11] =	ssyncadd.s32 $0xFFFFF000  }
0x43: {  	[tilespmem:s12], [sflag:$0x2] =	stream.linear.gather [hbm4b:s18+s3], $0x80, $0x38;
	[tilespmem:$0x1A100] =	vst v63  }
0x44: {  	_ =	swait.ge [sflag:s11], $0x80  }
0x45: {  	[sflag:s11] =	ssyncset.done $0x0  }
0x46: {  	[sflag:s11] =	ssyncadd.s32 $0xFFFFFF80  }
0x47: {  	[tilespmem:s10], [sflag:$0x1] =	stream.indirect.gather [hbm4b:s4+s13], $0x20, s12, s13, $0xb8;
	[tilespmem:$0x1A100] =	vst v63  }
0x48: {  	_ =	swait.ge [sflag:s14], $0x1000  }
0x49: {  	[sflag:s14] =	ssyncset.done $0x0  }
0x4a: {  	s30 =	sadd.s32 s17, s7;
	[sflag:s14] =	ssyncadd.s32 $0xFFFFF000  }
0x4b: {  	[tilespmem:s15], [sflag:$0x2] =	stream.linear.gather [hbm4b:s30+s3], $0x80, $0x38;
	[tilespmem:$0x1A100] =	vst v63  }
0x4c: {  	_ =	swait.ge [sflag:s11], $0x80  }
0x4d: {  	[sflag:s11] =	ssyncset.done $0x0  }
0x4e: {  	[sflag:s11] =	ssyncadd.s32 $0xFFFFFF80  }
0x4f: {  	[spmem:s1] =	stream.indirect.scatter.add.f32 [tilespmem:s10], [sflag:$0x2], $0x20, s15, s13, $0xb8;
	[tilespmem:$0x1A100] =	vst v63  }
0x50: {  	_ =	swait.ge [sflag:s11], $0x1000  }
0x51: {  	[sflag:s11] =	ssyncset.done $0x0  }
0x52: {  	[sflag:s11] =	ssyncadd.s32 $0xFFFFF000  }
0x53: {  	[bflag:$0x0] =	sbarrier.arrive $0xFFFF  }
0x54: {  	[tilespmem:s10], [sflag:$0x2] =	stream.linear.gather [spmem:s5], $0x1000, $0x38;
	[tilespmem:$0x1A100] =	vst v63  }
0x55: {  	_ =	swait.ge [sflag:s11], $0x1000  }
0x56: {  	[sflag:s11] =	ssyncset.done $0x0  }
0x57: {  	s31 =	sadd.s32 $0x0, s9;
	[sflag:s11] =	ssyncadd.s32 $0xFFFFF000  }
0x58: {  	[hbm4b:s31+s3] =	stream.linear.scatter [tilespmem:s10], [sflag:$0x2], $0x1000, $0x38;
	[tilespmem:$0x1A100] =	vst v63  }
0x59: {  	_ =	swait.ge [sflag:s11], $0x1000  }
0x5a: {  	s17 =	simm.s32 $0x200;
	s18 =	smov.u32 s5;
	[sflag:s11] =	ssyncset.done $0x0  }
.LBB2_8:
0x5b: {  	p0 =	sne.s32 s17, $0x3000;
	[sflag:s11] =	ssyncadd.s32 $0xFFFFF000;
	s18 =	sadd.s32 $0x1000, s18  }
0x5c: {  	[tilespmem:s10], [sflag:$0x2] =	stream.linear.gather [spmem:s18], $0x1000, $0x38;
	[tilespmem:$0x1A100] =	vst v63  }
0x5d: {  	s19 =	smov.u32 s17;
	s17 =	sadd.s32 $0x200, s17;
	_ =	swait.ge [sflag:s11], $0x1000  }
.Ltmp3:
0x5e: {  	[sflag:s11] =	ssyncset.done $0x0;
	(pc) =	sbr.rel @p0 .LBB2_8-.Ltmp3, $4  }
0x5f: {  	s19 =	sadd.s32 s19, s9;
	[sflag:s11] =	ssyncadd.s32 $0xFFFFF000  }
0x60: {  	[hbm4b:s19+s3] =	stream.linear.scatter [tilespmem:s10], [sflag:$0x2], $0x1000, $0x38;
	[tilespmem:$0x1A100] =	vst v63  }
0x61: {  	_ =	swait.ge [sflag:s11], $0x1000  }
0x62: {  	[sflag:s11] =	ssyncset.done $0x0  }
0x63: {  	s16 =	sadd.s32 $0x1, s16  }
0x64: {  	p0 =	sne.s32 s16, s6  }
.Ltmp4:
0x65: {  	_ = 	snop;
	(pc) =	sbr.rel @p0 .LBB2_1-.Ltmp4, $2  }
0x66: {  	_ =	sdelay $0x2  }
0x67: {  	[sflag:s11] =	ssyncadd.s32 $0xFFFFF000  }
0x68: {  	_ =	sfence.sel $0x180000  }
0x69: {  	[bflag:$0x0] =	sbarrier.arrive $0xFFFF  }
0x6a: {  	p0 =	sne.s32 s2, $0x0;
	_ =	strace $0x90000050  }
0x6b: {  	s0 =	sadd.s32 @!p0 $0x100000, s0;
	[bflag:$0x2] =	sbarrier.arrive $0xFFFF  }
0x6c: {  	[sflag:s0] =	ssyncadd.tile.s32 @!p0 $0x1;
	_ =	shalt  }
.Lfunc_end2:
_tile_overlayer_lowered:
.L_overlay_start_2:
0x6d: {  	(tag) =	ssettag $0x2  }
0x6e: {  	s0 =	rddreg [dreg:$0x0];
	s2 =	stileid.u32  }
0x6f: {  	s1 =	rddreg [dreg:$0x1];
	p0 =	sne.s32 s2, $0x0  }
0x70: {  	s3 =	rddreg [dreg:$0x2];
	[bflag:$0x3] =	sbarrier.arrive $0xFFFF;
	s2 =	simm.s32 @!p0 $0x1C02  }
0x71: {  	[timem:s3], [sflag:s2] =	dma.local @!p0 [hbm:s0], s1  }
0x72: {  	s0 =	simm.s32 @!p0 $0x2  }
0x73: {  	_ =	swait.ge @!p0 [sflag:s0], s1  }
0x74: {  	s1 =	ssub.s32 @!p0 $0x0, s1;
	[sflag:s0] =	ssyncset.done @!p0 $0x0  }
0x75: {  	[sflag:s0] =	ssyncadd.s32 @!p0 s1  }
0x76: {  	[bflag:$0x3] =	sbarrier.arrive $0xFFFF  }
0x77: {  	_ =	shalt  }

</sc_bundles>
